<compile_context>
chip_gen: v7x
topology: tpu7x:2x2x1
jax: 0.10.2.dev20260603
libtpu: 0.0.44.dev20260713+nightly
codegen_flags: <defaults>
</compile_context>

<pallas_src>
import functools

import jax
import jax.numpy as jnp
from jax import lax
from jax.experimental import pallas as pl
from jax.experimental.pallas import tpu as pltpu
from jax.experimental.pallas import tpu_sc as plsc

N = 10000
E = 320000
D = 128
G = 64
NC = 2
NS = 16
NW = NC * NS
K = 128
CPT = 80
EPT = CPT * K
EP = NW * EPT
GG = 8
CH0 = 80
CH1 = 2 * CPT - CH0
TCH = NS * (CH0 + CH1)
NP = 10240
RPS = NP // NS
BK = 2048
GRID = NP // BK


@functools.cache
def _mesh():
    return plsc.VectorSubcoreMesh(
        core_axis_name="c", subcore_axis_name="s", num_cores=NC, num_subcores=NS
    )


@functools.cache
def _sc_degree_kernel():
    return pl.kernel(
        _sc_degree,
        out_type=jax.ShapeDtypeStruct((NC, NP, 16), jnp.float32),
        mesh=_mesh(),
        scratch_types=[
            pltpu.VMEM((CPT, K), jnp.int32),
            pltpu.VMEM((K, 16), jnp.float32),
            pltpu.VMEM((K, 16), jnp.float32),
            pltpu.MemorySpace.VMEM_SHARED((NP, 16), jnp.float32),
        ],
    )


def _sc_degree(dst_hbm, out_hbm, dst_v, ones_v, zeros_v, acc):
    c = lax.axis_index("c")
    s = lax.axis_index("s")
    wid = c * NS + s
    pltpu.sync_copy(dst_hbm.at[wid], dst_v)

    def fill(r, carry):
        ones_v[r, :] = jnp.full((16,), 1.0, jnp.float32)
        zeros_v[r, :] = jnp.zeros((16,), jnp.float32)
        return carry

    lax.fori_loop(0, K, fill, 0)
    for k in range(RPS // K):
        pltpu.sync_copy(zeros_v, acc.at[pl.ds(s * RPS + k * K, K)])
    plsc.subcore_barrier()

    def body(i, carry):
        pltpu.sync_copy(ones_v, acc.at[dst_v.at[i]], add=True)
        return carry

    lax.fori_loop(0, CPT, body, 0)
    plsc.subcore_barrier()
    pltpu.sync_copy(acc.at[pl.ds(s * RPS, RPS)], out_hbm.at[c, pl.ds(s * RPS, RPS)])


@functools.cache
def _sc_aggregate_kernel():
    return pl.kernel(
        _sc_aggregate,
        out_type=jax.ShapeDtypeStruct((NC, NP, D), jnp.float32),
        mesh=_mesh(),
        scratch_types=[
            pltpu.VMEM((CH0, K), jnp.int32),
            pltpu.VMEM((CH0, K), jnp.int32),
            pltpu.VMEM((K, D), jnp.float32),
            pltpu.MemorySpace.VMEM_SHARED((NP, D), jnp.float32),
            pltpu.SemaphoreType.DMA,
        ],
    )


def _sc_aggregate(g_hbm, src_hbm, dst_hbm, out_hbm, src_v, dst_v, rows, acc, sem):
    c = lax.axis_index("c")
    s = lax.axis_index("s")
    wid = c * NS + s
    pltpu.sync_copy(src_hbm.at[wid], src_v)
    pltpu.sync_copy(dst_hbm.at[wid], dst_v)

    def zfill(r, carry):
        for j in range(D // 16):
            rows[r, pl.ds(j * 16, 16)] = jnp.zeros((16,), jnp.float32)
        return carry

    lax.fori_loop(0, K, zfill, 0)
    for k in range(RPS // K):
        pltpu.sync_copy(rows, acc.at[pl.ds(s * RPS + k * K, K)])
    plsc.subcore_barrier()

    def body(k, carry):
        pltpu.async_copy(g_hbm.at[src_v.at[k]], rows, sem).wait()
        pltpu.sync_copy(rows, acc.at[dst_v.at[k]], add=True)
        return carry

    lax.fori_loop(0, CH0, body, 0)
    plsc.subcore_barrier()
    pltpu.sync_copy(acc.at[pl.ds(s * RPS, RPS)], out_hbm.at[c, pl.ds(s * RPS, RPS)])



def _dinv_block(degp, step):
    deg = degp[0, :, 0:1] + degp[1, :, 0:1] + 1.0
    rid = step * BK + lax.broadcasted_iota(jnp.int32, (BK, 1), 0)
    return jnp.where(rid < N, lax.rsqrt(deg), 0.0)


def _lrelu(v):
    return jnp.where(v >= 0, v, 0.4 * v)


def _tc1_body(x_ref, degp_ref, win_ref, bin_ref, wc1_ref, g_ref):
    dinv = _dinv_block(degp_ref[...], pl.program_id(0))
    h = _lrelu(jnp.dot(x_ref[...], win_ref[...],
                       preferred_element_type=jnp.float32) + bin_ref[...])
    g_ref[...] = jnp.dot(h, wc1_ref[...],
                         preferred_element_type=jnp.float32) * dinv


def _tc2_body(p_ref, g_ref, degp_ref, b_ref, w_ref, o_ref):
    dinv = _dinv_block(degp_ref[...], pl.program_id(0))
    a = (p_ref[0] + p_ref[1] + g_ref[...]) * dinv + b_ref[...]
    h = _lrelu(a)
    o_ref[...] = jnp.dot(h, w_ref[...],
                         preferred_element_type=jnp.float32) * dinv


def _tc3_body(p_ref, g_ref, degp_ref, b_ref, batch_ref, wout_ref, bout_ref,
              o_ref, psum, cnt):
    i = pl.program_id(0)

    @pl.when(i == 0)
    def _():
        psum[...] = jnp.zeros_like(psum)
        cnt[...] = jnp.zeros_like(cnt)

    dinv = _dinv_block(degp_ref[...], i)
    h = _lrelu((p_ref[0] + p_ref[1] + g_ref[...]) * dinv + b_ref[...])
    onehot = (batch_ref[...] == lax.broadcasted_iota(jnp.int32, (1, G), 1)
              ).astype(jnp.float32)
    psum[...] += lax.dot_general(onehot, h, (((0,), (0,)), ((), ())),
                                 preferred_element_type=jnp.float32)
    cnt[...] += lax.dot_general(onehot, jnp.ones((BK, 1), jnp.float32),
                                (((0,), (0,)), ((), ())),
                                preferred_element_type=jnp.float32)

    @pl.when(i == GRID - 1)
    def _():
        pooled = psum[...] / jnp.maximum(cnt[...], 1.0)
        o_ref[...] = jnp.dot(pooled, wout_ref[...],
                             preferred_element_type=jnp.float32) + bout_ref[...]


def _row_spec(i_map=lambda i: (i, 0)):
    return pl.BlockSpec((BK, D), i_map)


_FULL = lambda shape: pl.BlockSpec(shape, lambda i: tuple(0 for _ in shape))
_DEGP_SPEC = pl.BlockSpec((NC, BK, 16), lambda i: (0, i, 0))
_PART_SPEC = pl.BlockSpec((NC, BK, D), lambda i: (0, i, 0))


def _tc1(x_p, degp, W_in, b_in, W_c1):
    return pl.pallas_call(
        _tc1_body,
        grid=(GRID,),
        in_specs=[_row_spec(), _DEGP_SPEC, _FULL((D, D)), _FULL((1, D)),
                  _FULL((D, D))],
        out_specs=_row_spec(),
        out_shape=jax.ShapeDtypeStruct((NP, D), jnp.float32),
    )(x_p, degp, W_in, b_in[None, :], W_c1)


def _tc2(part, g, degp, b, W):
    return pl.pallas_call(
        _tc2_body,
        grid=(GRID,),
        in_specs=[_PART_SPEC, _row_spec(), _DEGP_SPEC, _FULL((1, D)),
                  _FULL((D, D))],
        out_specs=_row_spec(),
        out_shape=jax.ShapeDtypeStruct((NP, D), jnp.float32),
    )(part, g, degp, b[None, :], W)


def _tc3(part, g, degp, b, batch_p, W_out, b_out):
    return pl.pallas_call(
        _tc3_body,
        grid=(GRID,),
        in_specs=[_PART_SPEC, _row_spec(), _DEGP_SPEC, _FULL((1, D)),
                  pl.BlockSpec((BK, 1), lambda i: (i, 0)), _FULL((D, D)),
                  _FULL((1, D))],
        out_specs=_FULL((G, D)),
        out_shape=jax.ShapeDtypeStruct((G, D), jnp.float32),
        scratch_shapes=[pltpu.VMEM((G, D), jnp.float32),
                        pltpu.VMEM((G, 1), jnp.float32)],
        compiler_params=pltpu.CompilerParams(
            dimension_semantics=("arbitrary",)),
    )(part, g, degp, b[None, :], batch_p, W_out, b_out[None, :])


def kernel(x, edge_index, batch, W_in, b_in, W_c1, b_c1, W_c2, b_c2, W_out, b_out):
    def _split(flat):
        padded = jnp.concatenate(
            [flat, jnp.full((TCH * K - E,), N, jnp.int32)]).reshape(TCH, K)
        part0 = padded[:NS * CH0].reshape(NS, CH0, K)
        part1 = padded[NS * CH0:].reshape(NS, CH1, K)
        part1 = jnp.pad(part1, ((0, 0), (0, CH0 - CH1), (0, 0)),
                        constant_values=N)
        return jnp.concatenate([part0, part1], axis=0)

    src_r = _split(edge_index[0])
    dst_r = _split(edge_index[1])
    padded_dst = jnp.concatenate(
        [edge_index[1], jnp.full((TCH * K - E,), N, jnp.int32)])
    dst_u = padded_dst.reshape(NW, CPT, K)
    x_p = jnp.pad(x, ((0, NP - N), (0, 0)))
    batch_p = jnp.pad(batch, (0, NP - N), constant_values=G).reshape(NP, 1)

    degp = _sc_degree_kernel()(dst_u)
    g1 = _tc1(x_p, degp, W_in, b_in, W_c1)
    p1 = _sc_aggregate_kernel()(g1, src_r, dst_r)
    g2 = _tc2(p1, g1, degp, b_c1, W_c2)
    p2 = _sc_aggregate_kernel()(g2, src_r, dst_r)
    return _tc3(p2, g2, degp, b_c2, batch_p, W_out, b_out)

# --- scband reference (transcript-rebuilt; emitter-appended) ---
"""Pipeline reference for scband-gcn-24386824306771 (READ-ONLY COPY).

The authoritative reference and input builder live on the scoring server;
editing this copy changes nothing except your own understanding.
"""

import jax, jax.numpy as jnp
import numpy as np

N = 10000
E = 320000
D = 128
H1 = 128
H2 = 128
H3 = 128
OUT = 128
G = 64


def setup_inputs(seed: int = 0) -> dict:
    key = jax.random.key(seed)
    ks = jax.random.split(key, 12)
    x = jax.random.normal(ks[0], (N, D), dtype=jnp.float32)
    edge_index = jax.random.randint(ks[1], (2, E), 0, N, dtype=jnp.int32)
    batch = jnp.sort(jax.random.randint(ks[2], (N,), 0, G, dtype=jnp.int32))
    W_in = jax.random.normal(ks[3], (D, H1), dtype=jnp.float32) * 0.05
    b_in = jax.random.normal(ks[4], (H1,), dtype=jnp.float32) * 0.05
    W_c1 = jax.random.normal(ks[5], (H1, H2), dtype=jnp.float32) * 0.05
    b_c1 = jax.random.normal(ks[6], (H2,), dtype=jnp.float32) * 0.05
    W_c2 = jax.random.normal(ks[7], (H2, H3), dtype=jnp.float32) * 0.05
    b_c2 = jax.random.normal(ks[8], (H3,), dtype=jnp.float32) * 0.05
    W_out = jax.random.normal(ks[9], (H3, OUT), dtype=jnp.float32) * 0.05
    b_out = jax.random.normal(ks[10], (OUT,), dtype=jnp.float32) * 0.05
    return {"x": x, "edge_index": edge_index, "batch": batch,
            "W_in": W_in, "b_in": b_in, "W_c1": W_c1, "b_c1": b_c1,
            "W_c2": W_c2, "b_c2": b_c2, "W_out": W_out, "b_out": b_out}


def _gcn_conv(h, edge_index, W, b):
    # PyG GCNConv: add self-loops, symmetric D^-1/2 (A+I) D^-1/2 normalization
    h = h @ W
    loop = jnp.arange(N, dtype=edge_index.dtype)
    src = jnp.concatenate([edge_index[0], loop])
    dst = jnp.concatenate([edge_index[1], loop])
    deg = jnp.zeros((N,), dtype=h.dtype).at[dst].add(1.0)
    dinv = jax.lax.rsqrt(jnp.maximum(deg, 1e-12))
    norm = dinv[src] * dinv[dst]
    msg = h[src] * norm[:, None]
    out = jnp.zeros((N, h.shape[1]), dtype=h.dtype).at[dst].add(msg)
    return out + b


def reference(x, edge_index, batch, W_in, b_in, W_c1, b_c1, W_c2, b_c2, W_out, b_out):
    lrelu = lambda v: jax.nn.leaky_relu(v, negative_slope=0.4)
    h = lrelu(x @ W_in + b_in)
    # dropout is identity in eval mode
    h = lrelu(_gcn_conv(h, edge_index, W_c1, b_c1))
    h = lrelu(_gcn_conv(h, edge_index, W_c2, b_c2))
    # global_mean_pool over batch ids
    s = jax.ops.segment_sum(h, batch, num_segments=G)
    cnt = jax.ops.segment_sum(jnp.ones((N,), dtype=h.dtype), batch, num_segments=G)
    pooled = s / jnp.maximum(cnt, 1.0)[:, None]
    return pooled @ W_out + b_out

if __name__ == "__main__":
    import jax
    _d = setup_inputs()
    print(jax.jit(kernel)(*tuple(_d.values())))

</pallas_src>

<mosaic_0001>
#map = affine_map<(d0, d1) -> (0, 0, 0)>
module attributes {stable_mosaic.version = 14 : i64} {
  func.func @_sc_degree(%arg0: i32, %arg1: i32, %arg2: memref<32x80x128xi32, #tpu.memory_space<hbm>>, %arg3: memref<2x10240x16xf32, #tpu.memory_space<hbm>>, %arg4: memref<80x128xi32, #tpu.memory_space<vmem>>, %arg5: memref<128x16xf32, #tpu.memory_space<vmem>>, %arg6: memref<128x16xf32, #tpu.memory_space<vmem>>, %arg7: memref<10240x16xf32, #tpu.memory_space<vmem_shared>>) attributes {dimension_semantics = [#tpu.dimension_semantics<core_parallel>, #tpu.dimension_semantics<subcore_parallel>], iteration_bounds = array<i64: 2, 16>, scalar_prefetch = 0 : i64, scratch_operands = 4 : i64, tpu.core_type = #tpu.core_type<sc_vector_subcore>, window_params = [{transform_indices = #map}, {transform_indices = #map}]} {
    %mul3A = arith.constant 16 : i32
    %mul3A_0 = arith.muli %arg0, %mul3A : i32
    %add3A = arith.addi %mul3A_0, %arg1 : i32
    "tpu.region"() ({
      %run_scoped3A = tpu.sem_alloc : memref<!tpu.dma_semaphore, #tpu.memory_space<semaphore_mem>>
      %dma_start3A = arith.constant 0 : i32
      %dma_start3A_37 = arith.constant 0 : i32
      %dma_start3A_38 = tpu.memref_slice %arg2[%add3A, %dma_start3A, %dma_start3A_37] : memref<32x80x128xi32, #tpu.memory_space<hbm>> -> memref<1x80x128xi32, #tpu.memory_space<hbm>>
      %dma_start3A_39 = tpu.memref_squeeze %dma_start3A_38 : memref<1x80x128xi32, #tpu.memory_space<hbm>> -> memref<80x128xi32, #tpu.memory_space<hbm>>
      %dma_start3A_40 = arith.constant 0 : i32
      %dma_start3A_41 = arith.constant 0 : i32
      %dma_start3A_42 = tpu.memref_slice %arg2[%add3A, %dma_start3A_40, %dma_start3A_41] : memref<32x80x128xi32, #tpu.memory_space<hbm>> -> memref<1x80x128xi32, #tpu.memory_space<hbm>>
      %dma_start3A_43 = tpu.memref_squeeze %dma_start3A_42 : memref<1x80x128xi32, #tpu.memory_space<hbm>> -> memref<80x128xi32, #tpu.memory_space<hbm>>
      tpu.enqueue_dma source(%dma_start3A_43 : memref<80x128xi32, #tpu.memory_space<hbm>>) target(%arg4 : memref<80x128xi32, #tpu.memory_space<vmem>>) target_semaphore(%run_scoped3A : memref<!tpu.dma_semaphore, #tpu.memory_space<semaphore_mem>>)
      %dma_wait3A = arith.constant 0 : i32
      %dma_wait3A_44 = arith.constant 0 : i32
      %dma_wait3A_45 = tpu.memref_slice %arg2[%add3A, %dma_wait3A, %dma_wait3A_44] : memref<32x80x128xi32, #tpu.memory_space<hbm>> -> memref<1x80x128xi32, #tpu.memory_space<hbm>>
      %dma_wait3A_46 = tpu.memref_squeeze %dma_wait3A_45 : memref<1x80x128xi32, #tpu.memory_space<hbm>> -> memref<80x128xi32, #tpu.memory_space<hbm>>
      %dma_wait3A_47 = arith.constant 0 : i32
      %dma_wait3A_48 = arith.constant 0 : i32
      %dma_wait3A_49 = tpu.memref_slice %arg2[%add3A, %dma_wait3A_47, %dma_wait3A_48] : memref<32x80x128xi32, #tpu.memory_space<hbm>> -> memref<1x80x128xi32, #tpu.memory_space<hbm>>
      %dma_wait3A_50 = tpu.memref_squeeze %dma_wait3A_49 : memref<1x80x128xi32, #tpu.memory_space<hbm>> -> memref<80x128xi32, #tpu.memory_space<hbm>>
      tpu.wait_dma2 semaphore(%run_scoped3A : memref<!tpu.dma_semaphore, #tpu.memory_space<semaphore_mem>>) src(%dma_wait3A_50 : memref<80x128xi32, #tpu.memory_space<hbm>>) dst(%arg4 : memref<80x128xi32, #tpu.memory_space<vmem>>)
      tpu.yield
    }) : () -> ()
    %scan3A = arith.constant 0 : i32
    %scan3A_1 = arith.constant 0 : i32
    %scan3A_2 = arith.constant 128 : i32
    %scan3A_3 = arith.addi %scan3A_1, %scan3A_2 : i32
    %scan3A_4 = arith.constant 1 : i32
    scf.for %scan3A_37 = %scan3A_1 to %scan3A_3 step %scan3A_4  : i32 {
      %broadcast_in_dim3A = arith.constant 1.000000e+00 : f32
      %broadcast_in_dim3A_38 = vector.broadcast %broadcast_in_dim3A : f32 to vector<16xf32>
      %swap3A = arith.index_cast %scan3A_37 : i32 to index
      %swap3A_39 = arith.constant 0 : index
      %swap3A_40 = tpu.vector_load %arg5[%swap3A, %swap3A_39] {strides = array<i32>} : memref<128x16xf32, #tpu.memory_space<vmem>>, vector<1x16xf32>,
      %swap3A_41 = vector.shape_cast %swap3A_40 : vector<1x16xf32> to vector<16xf32>
      %swap3A_42 = vector.shape_cast %broadcast_in_dim3A_38 : vector<16xf32> to vector<1x16xf32>
      tpu.vector_store %arg5[%swap3A, %swap3A_39], %swap3A_42 {strides = array<i32>} : memref<128x16xf32, #tpu.memory_space<vmem>>, vector<1x16xf32>,
      %broadcast_in_dim3A_43 = arith.constant 0.000000e+00 : f32
      %broadcast_in_dim3A_44 = vector.broadcast %broadcast_in_dim3A_43 : f32 to vector<16xf32>
      %swap3A_45 = arith.index_cast %scan3A_37 : i32 to index
      %swap3A_46 = arith.constant 0 : index
      %swap3A_47 = tpu.vector_load %arg6[%swap3A_45, %swap3A_46] {strides = array<i32>} : memref<128x16xf32, #tpu.memory_space<vmem>>, vector<1x16xf32>,
      %swap3A_48 = vector.shape_cast %swap3A_47 : vector<1x16xf32> to vector<16xf32>
      %swap3A_49 = vector.shape_cast %broadcast_in_dim3A_44 : vector<16xf32> to vector<1x16xf32>
      tpu.vector_store %arg6[%swap3A_45, %swap3A_46], %swap3A_49 {strides = array<i32>} : memref<128x16xf32, #tpu.memory_space<vmem>>, vector<1x16xf32>,
    }
    %scan3A_5 = arith.constant 128 : i32
    %mul3A_6 = arith.constant 640 : i32
    %mul3A_7 = arith.muli %arg1, %mul3A_6 : i32
    %add3A_8 = arith.constant 0 : i32
    %add3A_9 = arith.addi %mul3A_7, %add3A_8 : i32
    "tpu.region"() ({
      %run_scoped3A = tpu.sem_alloc : memref<!tpu.dma_semaphore, #tpu.memory_space<semaphore_mem>>
      %dma_start3A = arith.constant 0 : i32
      %dma_start3A_37 = tpu.memref_slice %arg7[%add3A_9, %dma_start3A] : memref<10240x16xf32, #tpu.memory_space<vmem_shared>> -> memref<128x16xf32, #tpu.memory_space<vmem_shared>>
      %dma_start3A_38 = arith.constant 0 : i32
      %dma_start3A_39 = tpu.memref_slice %arg7[%add3A_9, %dma_start3A_38] : memref<10240x16xf32, #tpu.memory_space<vmem_shared>> -> memref<128x16xf32, #tpu.memory_space<vmem_shared>>
      tpu.enqueue_dma source(%arg6 : memref<128x16xf32, #tpu.memory_space<vmem>>) target(%dma_start3A_39 : memref<128x16xf32, #tpu.memory_space<vmem_shared>>) target_semaphore(%run_scoped3A : memref<!tpu.dma_semaphore, #tpu.memory_space<semaphore_mem>>)
      %dma_wait3A = arith.constant 0 : i32
      %dma_wait3A_40 = tpu.memref_slice %arg7[%add3A_9, %dma_wait3A] : memref<10240x16xf32, #tpu.memory_space<vmem_shared>> -> memref<128x16xf32, #tpu.memory_space<vmem_shared>>
      %dma_wait3A_41 = arith.constant 0 : i32
      %dma_wait3A_42 = tpu.memref_slice %arg7[%add3A_9, %dma_wait3A_41] : memref<10240x16xf32, #tpu.memory_space<vmem_shared>> -> memref<128x16xf32, #tpu.memory_space<vmem_shared>>
      tpu.wait_dma2 semaphore(%run_scoped3A : memref<!tpu.dma_semaphore, #tpu.memory_space<semaphore_mem>>) src(%arg6 : memref<128x16xf32, #tpu.memory_space<vmem>>) dst(%dma_wait3A_42 : memref<128x16xf32, #tpu.memory_space<vmem_shared>>)
      tpu.yield
    }) : () -> ()
    %mul3A_10 = arith.constant 640 : i32
    %mul3A_11 = arith.muli %arg1, %mul3A_10 : i32
    %add3A_12 = arith.constant 128 : i32
    %add3A_13 = arith.addi %mul3A_11, %add3A_12 : i32
    "tpu.region"() ({
      %run_scoped3A = tpu.sem_alloc : memref<!tpu.dma_semaphore, #tpu.memory_space<semaphore_mem>>
      %dma_start3A = arith.constant 0 : i32
      %dma_start3A_37 = tpu.memref_slice %arg7[%add3A_13, %dma_start3A] : memref<10240x16xf32, #tpu.memory_space<vmem_shared>> -> memref<128x16xf32, #tpu.memory_space<vmem_shared>>
      %dma_start3A_38 = arith.constant 0 : i32
      %dma_start3A_39 = tpu.memref_slice %arg7[%add3A_13, %dma_start3A_38] : memref<10240x16xf32, #tpu.memory_space<vmem_shared>> -> memref<128x16xf32, #tpu.memory_space<vmem_shared>>
      tpu.enqueue_dma source(%arg6 : memref<128x16xf32, #tpu.memory_space<vmem>>) target(%dma_start3A_39 : memref<128x16xf32, #tpu.memory_space<vmem_shared>>) target_semaphore(%run_scoped3A : memref<!tpu.dma_semaphore, #tpu.memory_space<semaphore_mem>>)
      %dma_wait3A = arith.constant 0 : i32
      %dma_wait3A_40 = tpu.memref_slice %arg7[%add3A_13, %dma_wait3A] : memref<10240x16xf32, #tpu.memory_space<vmem_shared>> -> memref<128x16xf32, #tpu.memory_space<vmem_shared>>
      %dma_wait3A_41 = arith.constant 0 : i32
      %dma_wait3A_42 = tpu.memref_slice %arg7[%add3A_13, %dma_wait3A_41] : memref<10240x16xf32, #tpu.memory_space<vmem_shared>> -> memref<128x16xf32, #tpu.memory_space<vmem_shared>>
      tpu.wait_dma2 semaphore(%run_scoped3A : memref<!tpu.dma_semaphore, #tpu.memory_space<semaphore_mem>>) src(%arg6 : memref<128x16xf32, #tpu.memory_space<vmem>>) dst(%dma_wait3A_42 : memref<128x16xf32, #tpu.memory_space<vmem_shared>>)
      tpu.yield
    }) : () -> ()
    %mul3A_14 = arith.constant 640 : i32
    %mul3A_15 = arith.muli %arg1, %mul3A_14 : i32
    %add3A_16 = arith.constant 256 : i32
    %add3A_17 = arith.addi %mul3A_15, %add3A_16 : i32
    "tpu.region"() ({
      %run_scoped3A = tpu.sem_alloc : memref<!tpu.dma_semaphore, #tpu.memory_space<semaphore_mem>>
      %dma_start3A = arith.constant 0 : i32
      %dma_start3A_37 = tpu.memref_slice %arg7[%add3A_17, %dma_start3A] : memref<10240x16xf32, #tpu.memory_space<vmem_shared>> -> memref<128x16xf32, #tpu.memory_space<vmem_shared>>
      %dma_start3A_38 = arith.constant 0 : i32
      %dma_start3A_39 = tpu.memref_slice %arg7[%add3A_17, %dma_start3A_38] : memref<10240x16xf32, #tpu.memory_space<vmem_shared>> -> memref<128x16xf32, #tpu.memory_space<vmem_shared>>
      tpu.enqueue_dma source(%arg6 : memref<128x16xf32, #tpu.memory_space<vmem>>) target(%dma_start3A_39 : memref<128x16xf32, #tpu.memory_space<vmem_shared>>) target_semaphore(%run_scoped3A : memref<!tpu.dma_semaphore, #tpu.memory_space<semaphore_mem>>)
      %dma_wait3A = arith.constant 0 : i32
      %dma_wait3A_40 = tpu.memref_slice %arg7[%add3A_17, %dma_wait3A] : memref<10240x16xf32, #tpu.memory_space<vmem_shared>> -> memref<128x16xf32, #tpu.memory_space<vmem_shared>>
      %dma_wait3A_41 = arith.constant 0 : i32
      %dma_wait3A_42 = tpu.memref_slice %arg7[%add3A_17, %dma_wait3A_41] : memref<10240x16xf32, #tpu.memory_space<vmem_shared>> -> memref<128x16xf32, #tpu.memory_space<vmem_shared>>
      tpu.wait_dma2 semaphore(%run_scoped3A : memref<!tpu.dma_semaphore, #tpu.memory_space<semaphore_mem>>) src(%arg6 : memref<128x16xf32, #tpu.memory_space<vmem>>) dst(%dma_wait3A_42 : memref<128x16xf32, #tpu.memory_space<vmem_shared>>)
      tpu.yield
    }) : () -> ()
    %mul3A_18 = arith.constant 640 : i32
    %mul3A_19 = arith.muli %arg1, %mul3A_18 : i32
    %add3A_20 = arith.constant 384 : i32
    %add3A_21 = arith.addi %mul3A_19, %add3A_20 : i32
    "tpu.region"() ({
      %run_scoped3A = tpu.sem_alloc : memref<!tpu.dma_semaphore, #tpu.memory_space<semaphore_mem>>
      %dma_start3A = arith.constant 0 : i32
      %dma_start3A_37 = tpu.memref_slice %arg7[%add3A_21, %dma_start3A] : memref<10240x16xf32, #tpu.memory_space<vmem_shared>> -> memref<128x16xf32, #tpu.memory_space<vmem_shared>>
      %dma_start3A_38 = arith.constant 0 : i32
      %dma_start3A_39 = tpu.memref_slice %arg7[%add3A_21, %dma_start3A_38] : memref<10240x16xf32, #tpu.memory_space<vmem_shared>> -> memref<128x16xf32, #tpu.memory_space<vmem_shared>>
      tpu.enqueue_dma source(%arg6 : memref<128x16xf32, #tpu.memory_space<vmem>>) target(%dma_start3A_39 : memref<128x16xf32, #tpu.memory_space<vmem_shared>>) target_semaphore(%run_scoped3A : memref<!tpu.dma_semaphore, #tpu.memory_space<semaphore_mem>>)
      %dma_wait3A = arith.constant 0 : i32
      %dma_wait3A_40 = tpu.memref_slice %arg7[%add3A_21, %dma_wait3A] : memref<10240x16xf32, #tpu.memory_space<vmem_shared>> -> memref<128x16xf32, #tpu.memory_space<vmem_shared>>
      %dma_wait3A_41 = arith.constant 0 : i32
      %dma_wait3A_42 = tpu.memref_slice %arg7[%add3A_21, %dma_wait3A_41] : memref<10240x16xf32, #tpu.memory_space<vmem_shared>> -> memref<128x16xf32, #tpu.memory_space<vmem_shared>>
      tpu.wait_dma2 semaphore(%run_scoped3A : memref<!tpu.dma_semaphore, #tpu.memory_space<semaphore_mem>>) src(%arg6 : memref<128x16xf32, #tpu.memory_space<vmem>>) dst(%dma_wait3A_42 : memref<128x16xf32, #tpu.memory_space<vmem_shared>>)
      tpu.yield
    }) : () -> ()
    %mul3A_22 = arith.constant 640 : i32
    %mul3A_23 = arith.muli %arg1, %mul3A_22 : i32
    %add3A_24 = arith.constant 512 : i32
    %add3A_25 = arith.addi %mul3A_23, %add3A_24 : i32
    "tpu.region"() ({
      %run_scoped3A = tpu.sem_alloc : memref<!tpu.dma_semaphore, #tpu.memory_space<semaphore_mem>>
      %dma_start3A = arith.constant 0 : i32
      %dma_start3A_37 = tpu.memref_slice %arg7[%add3A_25, %dma_start3A] : memref<10240x16xf32, #tpu.memory_space<vmem_shared>> -> memref<128x16xf32, #tpu.memory_space<vmem_shared>>
      %dma_start3A_38 = arith.constant 0 : i32
      %dma_start3A_39 = tpu.memref_slice %arg7[%add3A_25, %dma_start3A_38] : memref<10240x16xf32, #tpu.memory_space<vmem_shared>> -> memref<128x16xf32, #tpu.memory_space<vmem_shared>>
      tpu.enqueue_dma source(%arg6 : memref<128x16xf32, #tpu.memory_space<vmem>>) target(%dma_start3A_39 : memref<128x16xf32, #tpu.memory_space<vmem_shared>>) target_semaphore(%run_scoped3A : memref<!tpu.dma_semaphore, #tpu.memory_space<semaphore_mem>>)
      %dma_wait3A = arith.constant 0 : i32
      %dma_wait3A_40 = tpu.memref_slice %arg7[%add3A_25, %dma_wait3A] : memref<10240x16xf32, #tpu.memory_space<vmem_shared>> -> memref<128x16xf32, #tpu.memory_space<vmem_shared>>
      %dma_wait3A_41 = arith.constant 0 : i32
      %dma_wait3A_42 = tpu.memref_slice %arg7[%add3A_25, %dma_wait3A_41] : memref<10240x16xf32, #tpu.memory_space<vmem_shared>> -> memref<128x16xf32, #tpu.memory_space<vmem_shared>>
      tpu.wait_dma2 semaphore(%run_scoped3A : memref<!tpu.dma_semaphore, #tpu.memory_space<semaphore_mem>>) src(%arg6 : memref<128x16xf32, #tpu.memory_space<vmem>>) dst(%dma_wait3A_42 : memref<128x16xf32, #tpu.memory_space<vmem_shared>>)
      tpu.yield
    }) : () -> ()
    %barrier3A = arith.constant 0 : index
    tpu.barrier barrier_id(%barrier3A)
    %scan3A_26 = arith.constant 0 : i32
    %scan3A_27 = arith.constant 0 : i32
    %scan3A_28 = arith.constant 80 : i32
    %scan3A_29 = arith.addi %scan3A_27, %scan3A_28 : i32
    %scan3A_30 = arith.constant 1 : i32
    scf.for %scan3A_37 = %scan3A_27 to %scan3A_29 step %scan3A_30  : i32 {
      "tpu.region"() ({
        %run_scoped3A = tpu.sem_alloc : memref<!tpu.dma_semaphore, #tpu.memory_space<semaphore_mem>>
        %dma_start3A = arith.constant 0 : i32
        %dma_start3A_38 = tpu.memref_slice %arg4[%scan3A_37, %dma_start3A] : memref<80x128xi32, #tpu.memory_space<vmem>> -> memref<1x128xi32, #tpu.memory_space<vmem>>
        %dma_start3A_39 = tpu.memref_squeeze %dma_start3A_38 : memref<1x128xi32, #tpu.memory_space<vmem>> -> memref<128xi32, #tpu.memory_space<vmem>>
        %dma_start3A_40 = arith.constant 0 : i32
        %dma_start3A_41 = arith.constant 0 : i32
        %dma_start3A_42 = tpu.memref_slice %arg7[%dma_start3A_40, %dma_start3A_41] : memref<10240x16xf32, #tpu.memory_space<vmem_shared>> -> memref<10240x16xf32, #tpu.memory_space<vmem_shared>>
        tpu.enqueue_indirect_dma source(%arg5 : memref<128x16xf32, #tpu.memory_space<vmem>>) target(%dma_start3A_42 : memref<10240x16xf32, #tpu.memory_space<vmem_shared>>) offsets(%dma_start3A_39 : memref<128xi32, #tpu.memory_space<vmem>>) semaphore(%run_scoped3A : memref<!tpu.dma_semaphore, #tpu.memory_space<semaphore_mem>>) {add = true}
        %dma_wait3A = arith.constant 0 : i32
        %dma_wait3A_43 = tpu.memref_slice %arg4[%scan3A_37, %dma_wait3A] : memref<80x128xi32, #tpu.memory_space<vmem>> -> memref<1x128xi32, #tpu.memory_space<vmem>>
        %dma_wait3A_44 = tpu.memref_squeeze %dma_wait3A_43 : memref<1x128xi32, #tpu.memory_space<vmem>> -> memref<128xi32, #tpu.memory_space<vmem>>
        %dma_wait3A_45 = arith.constant 0 : i32
        %dma_wait3A_46 = arith.constant 0 : i32
        %dma_wait3A_47 = tpu.memref_slice %arg7[%dma_wait3A_45, %dma_wait3A_46] : memref<10240x16xf32, #tpu.memory_space<vmem_shared>> -> memref<10240x16xf32, #tpu.memory_space<vmem_shared>>
        tpu.wait_indirect_dma semaphore(%run_scoped3A : memref<!tpu.dma_semaphore, #tpu.memory_space<semaphore_mem>>) src(%arg5 : memref<128x16xf32, #tpu.memory_space<vmem>>) dst(%dma_wait3A_47 : memref<10240x16xf32, #tpu.memory_space<vmem_shared>>)
        tpu.yield
      }) : () -> ()
    }
    %scan3A_31 = arith.constant 80 : i32
    %barrier3A_32 = arith.constant 0 : index
    tpu.barrier barrier_id(%barrier3A_32)
    %mul3A_33 = arith.constant 640 : i32
    %mul3A_34 = arith.muli %arg1, %mul3A_33 : i32
    %mul3A_35 = arith.constant 640 : i32
    %mul3A_36 = arith.muli %arg1, %mul3A_35 : i32
    "tpu.region"() ({
      %run_scoped3A = tpu.sem_alloc : memref<!tpu.dma_semaphore, #tpu.memory_space<semaphore_mem>>
      %dma_start3A = arith.constant 0 : i32
      %dma_start3A_37 = tpu.memref_slice %arg3[%arg0, %mul3A_36, %dma_start3A] : memref<2x10240x16xf32, #tpu.memory_space<hbm>> -> memref<1x640x16xf32, #tpu.memory_space<hbm>>
      %dma_start3A_38 = tpu.memref_squeeze %dma_start3A_37 : memref<1x640x16xf32, #tpu.memory_space<hbm>> -> memref<640x16xf32, #tpu.memory_space<hbm>>
      %dma_start3A_39 = arith.constant 0 : i32
      %dma_start3A_40 = tpu.memref_slice %arg7[%mul3A_34, %dma_start3A_39] : memref<10240x16xf32, #tpu.memory_space<vmem_shared>> -> memref<640x16xf32, #tpu.memory_space<vmem_shared>>
      tpu.enqueue_dma source(%dma_start3A_40 : memref<640x16xf32, #tpu.memory_space<vmem_shared>>) target(%dma_start3A_38 : memref<640x16xf32, #tpu.memory_space<hbm>>) target_semaphore(%run_scoped3A : memref<!tpu.dma_semaphore, #tpu.memory_space<semaphore_mem>>)
      %dma_wait3A = arith.constant 0 : i32
      %dma_wait3A_41 = tpu.memref_slice %arg3[%arg0, %mul3A_36, %dma_wait3A] : memref<2x10240x16xf32, #tpu.memory_space<hbm>> -> memref<1x640x16xf32, #tpu.memory_space<hbm>>
      %dma_wait3A_42 = tpu.memref_squeeze %dma_wait3A_41 : memref<1x640x16xf32, #tpu.memory_space<hbm>> -> memref<640x16xf32, #tpu.memory_space<hbm>>
      %dma_wait3A_43 = arith.constant 0 : i32
      %dma_wait3A_44 = tpu.memref_slice %arg7[%mul3A_34, %dma_wait3A_43] : memref<10240x16xf32, #tpu.memory_space<vmem_shared>> -> memref<640x16xf32, #tpu.memory_space<vmem_shared>>
      tpu.wait_dma2 semaphore(%run_scoped3A : memref<!tpu.dma_semaphore, #tpu.memory_space<semaphore_mem>>) src(%dma_wait3A_44 : memref<640x16xf32, #tpu.memory_space<vmem_shared>>) dst(%dma_wait3A_42 : memref<640x16xf32, #tpu.memory_space<hbm>>)
      tpu.yield
    }) : () -> ()
    return
  }
}

#map = affine_map<(d0, d1) -> (0, 0)>
#map1 = affine_map<(d0, d1) -> (0, 0, 0)>
module attributes {stable_mosaic.version = 14 : i64} {
  func.func @_sc_aggregate(%arg0: i32, %arg1: i32, %arg2: memref<10240x128xf32, #tpu.memory_space<hbm>>, %arg3: memref<32x80x128xi32, #tpu.memory_space<hbm>>, %arg4: memref<32x80x128xi32, #tpu.memory_space<hbm>>, %arg5: memref<2x10240x128xf32, #tpu.memory_space<hbm>>, %arg6: memref<80x128xi32, #tpu.memory_space<vmem>>, %arg7: memref<80x128xi32, #tpu.memory_space<vmem>>, %arg8: memref<128x128xf32, #tpu.memory_space<vmem>>, %arg9: memref<10240x128xf32, #tpu.memory_space<vmem_shared>>, %arg10: memref<!tpu.dma_semaphore, #tpu.memory_space<semaphore_mem>>) attributes {dimension_semantics = [#tpu.dimension_semantics<core_parallel>, #tpu.dimension_semantics<subcore_parallel>], iteration_bounds = array<i64: 2, 16>, scalar_prefetch = 0 : i64, scratch_operands = 5 : i64, tpu.core_type = #tpu.core_type<sc_vector_subcore>, window_params = [{transform_indices = #map}, {transform_indices = #map1}, {transform_indices = #map1}, {transform_indices = #map1}]} {
    %mul3A = arith.constant 16 : i32
    %mul3A_0 = arith.muli %arg0, %mul3A : i32
    %add3A = arith.addi %mul3A_0, %arg1 : i32
    "tpu.region"() ({
      %run_scoped3A = tpu.sem_alloc : memref<!tpu.dma_semaphore, #tpu.memory_space<semaphore_mem>>
      %dma_start3A = arith.constant 0 : i32
      %dma_start3A_37 = arith.constant 0 : i32
      %dma_start3A_38 = tpu.memref_slice %arg3[%add3A, %dma_start3A, %dma_start3A_37] : memref<32x80x128xi32, #tpu.memory_space<hbm>> -> memref<1x80x128xi32, #tpu.memory_space<hbm>>
      %dma_start3A_39 = tpu.memref_squeeze %dma_start3A_38 : memref<1x80x128xi32, #tpu.memory_space<hbm>> -> memref<80x128xi32, #tpu.memory_space<hbm>>
      %dma_start3A_40 = arith.constant 0 : i32
      %dma_start3A_41 = arith.constant 0 : i32
      %dma_start3A_42 = tpu.memref_slice %arg3[%add3A, %dma_start3A_40, %dma_start3A_41] : memref<32x80x128xi32, #tpu.memory_space<hbm>> -> memref<1x80x128xi32, #tpu.memory_space<hbm>>
      %dma_start3A_43 = tpu.memref_squeeze %dma_start3A_42 : memref<1x80x128xi32, #tpu.memory_space<hbm>> -> memref<80x128xi32, #tpu.memory_space<hbm>>
      tpu.enqueue_dma source(%dma_start3A_43 : memref<80x128xi32, #tpu.memory_space<hbm>>) target(%arg6 : memref<80x128xi32, #tpu.memory_space<vmem>>) target_semaphore(%run_scoped3A : memref<!tpu.dma_semaphore, #tpu.memory_space<semaphore_mem>>)
      %dma_wait3A = arith.constant 0 : i32
      %dma_wait3A_44 = arith.constant 0 : i32
      %dma_wait3A_45 = tpu.memref_slice %arg3[%add3A, %dma_wait3A, %dma_wait3A_44] : memref<32x80x128xi32, #tpu.memory_space<hbm>> -> memref<1x80x128xi32, #tpu.memory_space<hbm>>
      %dma_wait3A_46 = tpu.memref_squeeze %dma_wait3A_45 : memref<1x80x128xi32, #tpu.memory_space<hbm>> -> memref<80x128xi32, #tpu.memory_space<hbm>>
      %dma_wait3A_47 = arith.constant 0 : i32
      %dma_wait3A_48 = arith.constant 0 : i32
      %dma_wait3A_49 = tpu.memref_slice %arg3[%add3A, %dma_wait3A_47, %dma_wait3A_48] : memref<32x80x128xi32, #tpu.memory_space<hbm>> -> memref<1x80x128xi32, #tpu.memory_space<hbm>>
      %dma_wait3A_50 = tpu.memref_squeeze %dma_wait3A_49 : memref<1x80x128xi32, #tpu.memory_space<hbm>> -> memref<80x128xi32, #tpu.memory_space<hbm>>
      tpu.wait_dma2 semaphore(%run_scoped3A : memref<!tpu.dma_semaphore, #tpu.memory_space<semaphore_mem>>) src(%dma_wait3A_50 : memref<80x128xi32, #tpu.memory_space<hbm>>) dst(%arg6 : memref<80x128xi32, #tpu.memory_space<vmem>>)
      tpu.yield
    }) : () -> ()
    "tpu.region"() ({
      %run_scoped3A = tpu.sem_alloc : memref<!tpu.dma_semaphore, #tpu.memory_space<semaphore_mem>>
      %dma_start3A = arith.constant 0 : i32
      %dma_start3A_37 = arith.constant 0 : i32
      %dma_start3A_38 = tpu.memref_slice %arg4[%add3A, %dma_start3A, %dma_start3A_37] : memref<32x80x128xi32, #tpu.memory_space<hbm>> -> memref<1x80x128xi32, #tpu.memory_space<hbm>>
      %dma_start3A_39 = tpu.memref_squeeze %dma_start3A_38 : memref<1x80x128xi32, #tpu.memory_space<hbm>> -> memref<80x128xi32, #tpu.memory_space<hbm>>
      %dma_start3A_40 = arith.constant 0 : i32
      %dma_start3A_41 = arith.constant 0 : i32
      %dma_start3A_42 = tpu.memref_slice %arg4[%add3A, %dma_start3A_40, %dma_start3A_41] : memref<32x80x128xi32, #tpu.memory_space<hbm>> -> memref<1x80x128xi32, #tpu.memory_space<hbm>>
      %dma_start3A_43 = tpu.memref_squeeze %dma_start3A_42 : memref<1x80x128xi32, #tpu.memory_space<hbm>> -> memref<80x128xi32, #tpu.memory_space<hbm>>
      tpu.enqueue_dma source(%dma_start3A_43 : memref<80x128xi32, #tpu.memory_space<hbm>>) target(%arg7 : memref<80x128xi32, #tpu.memory_space<vmem>>) target_semaphore(%run_scoped3A : memref<!tpu.dma_semaphore, #tpu.memory_space<semaphore_mem>>)
      %dma_wait3A = arith.constant 0 : i32
      %dma_wait3A_44 = arith.constant 0 : i32
      %dma_wait3A_45 = tpu.memref_slice %arg4[%add3A, %dma_wait3A, %dma_wait3A_44] : memref<32x80x128xi32, #tpu.memory_space<hbm>> -> memref<1x80x128xi32, #tpu.memory_space<hbm>>
      %dma_wait3A_46 = tpu.memref_squeeze %dma_wait3A_45 : memref<1x80x128xi32, #tpu.memory_space<hbm>> -> memref<80x128xi32, #tpu.memory_space<hbm>>
      %dma_wait3A_47 = arith.constant 0 : i32
      %dma_wait3A_48 = arith.constant 0 : i32
      %dma_wait3A_49 = tpu.memref_slice %arg4[%add3A, %dma_wait3A_47, %dma_wait3A_48] : memref<32x80x128xi32, #tpu.memory_space<hbm>> -> memref<1x80x128xi32, #tpu.memory_space<hbm>>
      %dma_wait3A_50 = tpu.memref_squeeze %dma_wait3A_49 : memref<1x80x128xi32, #tpu.memory_space<hbm>> -> memref<80x128xi32, #tpu.memory_space<hbm>>
      tpu.wait_dma2 semaphore(%run_scoped3A : memref<!tpu.dma_semaphore, #tpu.memory_space<semaphore_mem>>) src(%dma_wait3A_50 : memref<80x128xi32, #tpu.memory_space<hbm>>) dst(%arg7 : memref<80x128xi32, #tpu.memory_space<vmem>>)
      tpu.yield
    }) : () -> ()
    %scan3A = arith.constant 0 : i32
    %scan3A_1 = arith.constant 0 : i32
    %scan3A_2 = arith.constant 128 : i32
    %scan3A_3 = arith.addi %scan3A_1, %scan3A_2 : i32
    %scan3A_4 = arith.constant 1 : i32
    scf.for %scan3A_37 = %scan3A_1 to %scan3A_3 step %scan3A_4  : i32 {
      %broadcast_in_dim3A = arith.constant 0.000000e+00 : f32
      %broadcast_in_dim3A_38 = vector.broadcast %broadcast_in_dim3A : f32 to vector<16xf32>
      %swap3A = arith.index_cast %scan3A_37 : i32 to index
      %swap3A_39 = arith.constant 0 : index
      %swap3A_40 = tpu.vector_load %arg8[%swap3A, %swap3A_39] {strides = array<i32>} : memref<128x128xf32, #tpu.memory_space<vmem>>, vector<1x16xf32>,
      %swap3A_41 = vector.shape_cast %swap3A_40 : vector<1x16xf32> to vector<16xf32>
      %swap3A_42 = vector.shape_cast %broadcast_in_dim3A_38 : vector<16xf32> to vector<1x16xf32>
      tpu.vector_store %arg8[%swap3A, %swap3A_39], %swap3A_42 {strides = array<i32>} : memref<128x128xf32, #tpu.memory_space<vmem>>, vector<1x16xf32>,
      %broadcast_in_dim3A_43 = arith.constant 0.000000e+00 : f32
      %broadcast_in_dim3A_44 = vector.broadcast %broadcast_in_dim3A_43 : f32 to vector<16xf32>
      %swap3A_45 = arith.index_cast %scan3A_37 : i32 to index
      %swap3A_46 = arith.constant 16 : index
      %swap3A_47 = tpu.vector_load %arg8[%swap3A_45, %swap3A_46] {strides = array<i32>} : memref<128x128xf32, #tpu.memory_space<vmem>>, vector<1x16xf32>,
      %swap3A_48 = vector.shape_cast %swap3A_47 : vector<1x16xf32> to vector<16xf32>
      %swap3A_49 = vector.shape_cast %broadcast_in_dim3A_44 : vector<16xf32> to vector<1x16xf32>
      tpu.vector_store %arg8[%swap3A_45, %swap3A_46], %swap3A_49 {strides = array<i32>} : memref<128x128xf32, #tpu.memory_space<vmem>>, vector<1x16xf32>,
      %broadcast_in_dim3A_50 = arith.constant 0.000000e+00 : f32
      %broadcast_in_dim3A_51 = vector.broadcast %broadcast_in_dim3A_50 : f32 to vector<16xf32>
      %swap3A_52 = arith.index_cast %scan3A_37 : i32 to index
      %swap3A_53 = arith.constant 32 : index
      %swap3A_54 = tpu.vector_load %arg8[%swap3A_52, %swap3A_53] {strides = array<i32>} : memref<128x128xf32, #tpu.memory_space<vmem>>, vector<1x16xf32>,
      %swap3A_55 = vector.shape_cast %swap3A_54 : vector<1x16xf32> to vector<16xf32>
      %swap3A_56 = vector.shape_cast %broadcast_in_dim3A_51 : vector<16xf32> to vector<1x16xf32>
      tpu.vector_store %arg8[%swap3A_52, %swap3A_53], %swap3A_56 {strides = array<i32>} : memref<128x128xf32, #tpu.memory_space<vmem>>, vector<1x16xf32>,
      %broadcast_in_dim3A_57 = arith.constant 0.000000e+00 : f32
      %broadcast_in_dim3A_58 = vector.broadcast %broadcast_in_dim3A_57 : f32 to vector<16xf32>
      %swap3A_59 = arith.index_cast %scan3A_37 : i32 to index
      %swap3A_60 = arith.constant 48 : index
      %swap3A_61 = tpu.vector_load %arg8[%swap3A_59, %swap3A_60] {strides = array<i32>} : memref<128x128xf32, #tpu.memory_space<vmem>>, vector<1x16xf32>,
      %swap3A_62 = vector.shape_cast %swap3A_61 : vector<1x16xf32> to vector<16xf32>
      %swap3A_63 = vector.shape_cast %broadcast_in_dim3A_58 : vector<16xf32> to vector<1x16xf32>
      tpu.vector_store %arg8[%swap3A_59, %swap3A_60], %swap3A_63 {strides = array<i32>} : memref<128x128xf32, #tpu.memory_space<vmem>>, vector<1x16xf32>,
      %broadcast_in_dim3A_64 = arith.constant 0.000000e+00 : f32
      %broadcast_in_dim3A_65 = vector.broadcast %broadcast_in_dim3A_64 : f32 to vector<16xf32>
      %swap3A_66 = arith.index_cast %scan3A_37 : i32 to index
      %swap3A_67 = arith.constant 64 : index
      %swap3A_68 = tpu.vector_load %arg8[%swap3A_66, %swap3A_67] {strides = array<i32>} : memref<128x128xf32, #tpu.memory_space<vmem>>, vector<1x16xf32>,
      %swap3A_69 = vector.shape_cast %swap3A_68 : vector<1x16xf32> to vector<16xf32>
      %swap3A_70 = vector.shape_cast %broadcast_in_dim3A_65 : vector<16xf32> to vector<1x16xf32>
      tpu.vector_store %arg8[%swap3A_66, %swap3A_67], %swap3A_70 {strides = array<i32>} : memref<128x128xf32, #tpu.memory_space<vmem>>, vector<1x16xf32>,
      %broadcast_in_dim3A_71 = arith.constant 0.000000e+00 : f32
      %broadcast_in_dim3A_72 = vector.broadcast %broadcast_in_dim3A_71 : f32 to vector<16xf32>
      %swap3A_73 = arith.index_cast %scan3A_37 : i32 to index
      %swap3A_74 = arith.constant 80 : index
      %swap3A_75 = tpu.vector_load %arg8[%swap3A_73, %swap3A_74] {strides = array<i32>} : memref<128x128xf32, #tpu.memory_space<vmem>>, vector<1x16xf32>,
      %swap3A_76 = vector.shape_cast %swap3A_75 : vector<1x16xf32> to vector<16xf32>
      %swap3A_77 = vector.shape_cast %broadcast_in_dim3A_72 : vector<16xf32> to vector<1x16xf32>
      tpu.vector_store %arg8[%swap3A_73, %swap3A_74], %swap3A_77 {strides = array<i32>} : memref<128x128xf32, #tpu.memory_space<vmem>>, vector<1x16xf32>,
      %broadcast_in_dim3A_78 = arith.constant 0.000000e+00 : f32
      %broadcast_in_dim3A_79 = vector.broadcast %broadcast_in_dim3A_78 : f32 to vector<16xf32>
      %swap3A_80 = arith.index_cast %scan3A_37 : i32 to index
      %swap3A_81 = arith.constant 96 : index
      %swap3A_82 = tpu.vector_load %arg8[%swap3A_80, %swap3A_81] {strides = array<i32>} : memref<128x128xf32, #tpu.memory_space<vmem>>, vector<1x16xf32>,
      %swap3A_83 = vector.shape_cast %swap3A_82 : vector<1x16xf32> to vector<16xf32>
      %swap3A_84 = vector.shape_cast %broadcast_in_dim3A_79 : vector<16xf32> to vector<1x16xf32>
      tpu.vector_store %arg8[%swap3A_80, %swap3A_81], %swap3A_84 {strides = array<i32>} : memref<128x128xf32, #tpu.memory_space<vmem>>, vector<1x16xf32>,
      %broadcast_in_dim3A_85 = arith.constant 0.000000e+00 : f32
      %broadcast_in_dim3A_86 = vector.broadcast %broadcast_in_dim3A_85 : f32 to vector<16xf32>
      %swap3A_87 = arith.index_cast %scan3A_37 : i32 to index
      %swap3A_88 = arith.constant 112 : index
      %swap3A_89 = tpu.vector_load %arg8[%swap3A_87, %swap3A_88] {strides = array<i32>} : memref<128x128xf32, #tpu.memory_space<vmem>>, vector<1x16xf32>,
      %swap3A_90 = vector.shape_cast %swap3A_89 : vector<1x16xf32> to vector<16xf32>
      %swap3A_91 = vector.shape_cast %broadcast_in_dim3A_86 : vector<16xf32> to vector<1x16xf32>
      tpu.vector_store %arg8[%swap3A_87, %swap3A_88], %swap3A_91 {strides = array<i32>} : memref<128x128xf32, #tpu.memory_space<vmem>>, vector<1x16xf32>,
    }
    %scan3A_5 = arith.constant 128 : i32
    %mul3A_6 = arith.constant 640 : i32
    %mul3A_7 = arith.muli %arg1, %mul3A_6 : i32
    %add3A_8 = arith.constant 0 : i32
    %add3A_9 = arith.addi %mul3A_7, %add3A_8 : i32
    "tpu.region"() ({
      %run_scoped3A = tpu.sem_alloc : memref<!tpu.dma_semaphore, #tpu.memory_space<semaphore_mem>>
      %dma_start3A = arith.constant 0 : i32
      %dma_start3A_37 = tpu.memref_slice %arg9[%add3A_9, %dma_start3A] : memref<10240x128xf32, #tpu.memory_space<vmem_shared>> -> memref<128x128xf32, #tpu.memory_space<vmem_shared>>
      %dma_start3A_38 = arith.constant 0 : i32
      %dma_start3A_39 = tpu.memref_slice %arg9[%add3A_9, %dma_start3A_38] : memref<10240x128xf32, #tpu.memory_space<vmem_shared>> -> memref<128x128xf32, #tpu.memory_space<vmem_shared>>
      tpu.enqueue_dma source(%arg8 : memref<128x128xf32, #tpu.memory_space<vmem>>) target(%dma_start3A_39 : memref<128x128xf32, #tpu.memory_space<vmem_shared>>) target_semaphore(%run_scoped3A : memref<!tpu.dma_semaphore, #tpu.memory_space<semaphore_mem>>)
      %dma_wait3A = arith.constant 0 : i32
      %dma_wait3A_40 = tpu.memref_slice %arg9[%add3A_9, %dma_wait3A] : memref<10240x128xf32, #tpu.memory_space<vmem_shared>> -> memref<128x128xf32, #tpu.memory_space<vmem_shared>>
      %dma_wait3A_41 = arith.constant 0 : i32
      %dma_wait3A_42 = tpu.memref_slice %arg9[%add3A_9, %dma_wait3A_41] : memref<10240x128xf32, #tpu.memory_space<vmem_shared>> -> memref<128x128xf32, #tpu.memory_space<vmem_shared>>
      tpu.wait_dma2 semaphore(%run_scoped3A : memref<!tpu.dma_semaphore, #tpu.memory_space<semaphore_mem>>) src(%arg8 : memref<128x128xf32, #tpu.memory_space<vmem>>) dst(%dma_wait3A_42 : memref<128x128xf32, #tpu.memory_space<vmem_shared>>)
      tpu.yield
    }) : () -> ()
    %mul3A_10 = arith.constant 640 : i32
    %mul3A_11 = arith.muli %arg1, %mul3A_10 : i32
    %add3A_12 = arith.constant 128 : i32
    %add3A_13 = arith.addi %mul3A_11, %add3A_12 : i32
    "tpu.region"() ({
      %run_scoped3A = tpu.sem_alloc : memref<!tpu.dma_semaphore, #tpu.memory_space<semaphore_mem>>
      %dma_start3A = arith.constant 0 : i32
      %dma_start3A_37 = tpu.memref_slice %arg9[%add3A_13, %dma_start3A] : memref<10240x128xf32, #tpu.memory_space<vmem_shared>> -> memref<128x128xf32, #tpu.memory_space<vmem_shared>>
      %dma_start3A_38 = arith.constant 0 : i32
      %dma_start3A_39 = tpu.memref_slice %arg9[%add3A_13, %dma_start3A_38] : memref<10240x128xf32, #tpu.memory_space<vmem_shared>> -> memref<128x128xf32, #tpu.memory_space<vmem_shared>>
      tpu.enqueue_dma source(%arg8 : memref<128x128xf32, #tpu.memory_space<vmem>>) target(%dma_start3A_39 : memref<128x128xf32, #tpu.memory_space<vmem_shared>>) target_semaphore(%run_scoped3A : memref<!tpu.dma_semaphore, #tpu.memory_space<semaphore_mem>>)
      %dma_wait3A = arith.constant 0 : i32
      %dma_wait3A_40 = tpu.memref_slice %arg9[%add3A_13, %dma_wait3A] : memref<10240x128xf32, #tpu.memory_space<vmem_shared>> -> memref<128x128xf32, #tpu.memory_space<vmem_shared>>
      %dma_wait3A_41 = arith.constant 0 : i32
      %dma_wait3A_42 = tpu.memref_slice %arg9[%add3A_13, %dma_wait3A_41] : memref<10240x128xf32, #tpu.memory_space<vmem_shared>> -> memref<128x128xf32, #tpu.memory_space<vmem_shared>>
      tpu.wait_dma2 semaphore(%run_scoped3A : memref<!tpu.dma_semaphore, #tpu.memory_space<semaphore_mem>>) src(%arg8 : memref<128x128xf32, #tpu.memory_space<vmem>>) dst(%dma_wait3A_42 : memref<128x128xf32, #tpu.memory_space<vmem_shared>>)
      tpu.yield
    }) : () -> ()
    %mul3A_14 = arith.constant 640 : i32
    %mul3A_15 = arith.muli %arg1, %mul3A_14 : i32
    %add3A_16 = arith.constant 256 : i32
    %add3A_17 = arith.addi %mul3A_15, %add3A_16 : i32
    "tpu.region"() ({
      %run_scoped3A = tpu.sem_alloc : memref<!tpu.dma_semaphore, #tpu.memory_space<semaphore_mem>>
      %dma_start3A = arith.constant 0 : i32
      %dma_start3A_37 = tpu.memref_slice %arg9[%add3A_17, %dma_start3A] : memref<10240x128xf32, #tpu.memory_space<vmem_shared>> -> memref<128x128xf32, #tpu.memory_space<vmem_shared>>
      %dma_start3A_38 = arith.constant 0 : i32
      %dma_start3A_39 = tpu.memref_slice %arg9[%add3A_17, %dma_start3A_38] : memref<10240x128xf32, #tpu.memory_space<vmem_shared>> -> memref<128x128xf32, #tpu.memory_space<vmem_shared>>
      tpu.enqueue_dma source(%arg8 : memref<128x128xf32, #tpu.memory_space<vmem>>) target(%dma_start3A_39 : memref<128x128xf32, #tpu.memory_space<vmem_shared>>) target_semaphore(%run_scoped3A : memref<!tpu.dma_semaphore, #tpu.memory_space<semaphore_mem>>)
      %dma_wait3A = arith.constant 0 : i32
      %dma_wait3A_40 = tpu.memref_slice %arg9[%add3A_17, %dma_wait3A] : memref<10240x128xf32, #tpu.memory_space<vmem_shared>> -> memref<128x128xf32, #tpu.memory_space<vmem_shared>>
      %dma_wait3A_41 = arith.constant 0 : i32
      %dma_wait3A_42 = tpu.memref_slice %arg9[%add3A_17, %dma_wait3A_41] : memref<10240x128xf32, #tpu.memory_space<vmem_shared>> -> memref<128x128xf32, #tpu.memory_space<vmem_shared>>
      tpu.wait_dma2 semaphore(%run_scoped3A : memref<!tpu.dma_semaphore, #tpu.memory_space<semaphore_mem>>) src(%arg8 : memref<128x128xf32, #tpu.memory_space<vmem>>) dst(%dma_wait3A_42 : memref<128x128xf32, #tpu.memory_space<vmem_shared>>)
      tpu.yield
    }) : () -> ()
    %mul3A_18 = arith.constant 640 : i32
    %mul3A_19 = arith.muli %arg1, %mul3A_18 : i32
    %add3A_20 = arith.constant 384 : i32
    %add3A_21 = arith.addi %mul3A_19, %add3A_20 : i32
    "tpu.region"() ({
      %run_scoped3A = tpu.sem_alloc : memref<!tpu.dma_semaphore, #tpu.memory_space<semaphore_mem>>
      %dma_start3A = arith.constant 0 : i32
      %dma_start3A_37 = tpu.memref_slice %arg9[%add3A_21, %dma_start3A] : memref<10240x128xf32, #tpu.memory_space<vmem_shared>> -> memref<128x128xf32, #tpu.memory_space<vmem_shared>>
      %dma_start3A_38 = arith.constant 0 : i32
      %dma_start3A_39 = tpu.memref_slice %arg9[%add3A_21, %dma_start3A_38] : memref<10240x128xf32, #tpu.memory_space<vmem_shared>> -> memref<128x128xf32, #tpu.memory_space<vmem_shared>>
      tpu.enqueue_dma source(%arg8 : memref<128x128xf32, #tpu.memory_space<vmem>>) target(%dma_start3A_39 : memref<128x128xf32, #tpu.memory_space<vmem_shared>>) target_semaphore(%run_scoped3A : memref<!tpu.dma_semaphore, #tpu.memory_space<semaphore_mem>>)
      %dma_wait3A = arith.constant 0 : i32
      %dma_wait3A_40 = tpu.memref_slice %arg9[%add3A_21, %dma_wait3A] : memref<10240x128xf32, #tpu.memory_space<vmem_shared>> -> memref<128x128xf32, #tpu.memory_space<vmem_shared>>
      %dma_wait3A_41 = arith.constant 0 : i32
      %dma_wait3A_42 = tpu.memref_slice %arg9[%add3A_21, %dma_wait3A_41] : memref<10240x128xf32, #tpu.memory_space<vmem_shared>> -> memref<128x128xf32, #tpu.memory_space<vmem_shared>>
      tpu.wait_dma2 semaphore(%run_scoped3A : memref<!tpu.dma_semaphore, #tpu.memory_space<semaphore_mem>>) src(%arg8 : memref<128x128xf32, #tpu.memory_space<vmem>>) dst(%dma_wait3A_42 : memref<128x128xf32, #tpu.memory_space<vmem_shared>>)
      tpu.yield
    }) : () -> ()
    %mul3A_22 = arith.constant 640 : i32
    %mul3A_23 = arith.muli %arg1, %mul3A_22 : i32
    %add3A_24 = arith.constant 512 : i32
    %add3A_25 = arith.addi %mul3A_23, %add3A_24 : i32
    "tpu.region"() ({
      %run_scoped3A = tpu.sem_alloc : memref<!tpu.dma_semaphore, #tpu.memory_space<semaphore_mem>>
      %dma_start3A = arith.constant 0 : i32
      %dma_start3A_37 = tpu.memref_slice %arg9[%add3A_25, %dma_start3A] : memref<10240x128xf32, #tpu.memory_space<vmem_shared>> -> memref<128x128xf32, #tpu.memory_space<vmem_shared>>
      %dma_start3A_38 = arith.constant 0 : i32
      %dma_start3A_39 = tpu.memref_slice %arg9[%add3A_25, %dma_start3A_38] : memref<10240x128xf32, #tpu.memory_space<vmem_shared>> -> memref<128x128xf32, #tpu.memory_space<vmem_shared>>
      tpu.enqueue_dma source(%arg8 : memref<128x128xf32, #tpu.memory_space<vmem>>) target(%dma_start3A_39 : memref<128x128xf32, #tpu.memory_space<vmem_shared>>) target_semaphore(%run_scoped3A : memref<!tpu.dma_semaphore, #tpu.memory_space<semaphore_mem>>)
      %dma_wait3A = arith.constant 0 : i32
      %dma_wait3A_40 = tpu.memref_slice %arg9[%add3A_25, %dma_wait3A] : memref<10240x128xf32, #tpu.memory_space<vmem_shared>> -> memref<128x128xf32, #tpu.memory_space<vmem_shared>>
      %dma_wait3A_41 = arith.constant 0 : i32
      %dma_wait3A_42 = tpu.memref_slice %arg9[%add3A_25, %dma_wait3A_41] : memref<10240x128xf32, #tpu.memory_space<vmem_shared>> -> memref<128x128xf32, #tpu.memory_space<vmem_shared>>
      tpu.wait_dma2 semaphore(%run_scoped3A : memref<!tpu.dma_semaphore, #tpu.memory_space<semaphore_mem>>) src(%arg8 : memref<128x128xf32, #tpu.memory_space<vmem>>) dst(%dma_wait3A_42 : memref<128x128xf32, #tpu.memory_space<vmem_shared>>)
      tpu.yield
    }) : () -> ()
    %barrier3A = arith.constant 0 : index
    tpu.barrier barrier_id(%barrier3A)
    %scan3A_26 = arith.constant 0 : i32
    %scan3A_27 = arith.constant 0 : i32
    %scan3A_28 = arith.constant 80 : i32
    %scan3A_29 = arith.addi %scan3A_27, %scan3A_28 : i32
    %scan3A_30 = arith.constant 1 : i32
    scf.for %scan3A_37 = %scan3A_27 to %scan3A_29 step %scan3A_30  : i32 {
      %dma_start3A = arith.constant 0 : i32
      %dma_start3A_38 = tpu.memref_slice %arg6[%scan3A_37, %dma_start3A] : memref<80x128xi32, #tpu.memory_space<vmem>> -> memref<1x128xi32, #tpu.memory_space<vmem>>
      %dma_start3A_39 = tpu.memref_squeeze %dma_start3A_38 : memref<1x128xi32, #tpu.memory_space<vmem>> -> memref<128xi32, #tpu.memory_space<vmem>>
      %dma_start3A_40 = arith.constant 0 : i32
      %dma_start3A_41 = arith.constant 0 : i32
      %dma_start3A_42 = tpu.memref_slice %arg2[%dma_start3A_40, %dma_start3A_41] : memref<10240x128xf32, #tpu.memory_space<hbm>> -> memref<10240x128xf32, #tpu.memory_space<hbm>>
      tpu.enqueue_indirect_dma source(%dma_start3A_42 : memref<10240x128xf32, #tpu.memory_space<hbm>>) target(%arg8 : memref<128x128xf32, #tpu.memory_space<vmem>>) offsets(%dma_start3A_39 : memref<128xi32, #tpu.memory_space<vmem>>) semaphore(%arg10 : memref<!tpu.dma_semaphore, #tpu.memory_space<semaphore_mem>>)
      %dma_wait3A = arith.constant 0 : i32
      %dma_wait3A_43 = tpu.memref_slice %arg6[%scan3A_37, %dma_wait3A] : memref<80x128xi32, #tpu.memory_space<vmem>> -> memref<1x128xi32, #tpu.memory_space<vmem>>
      %dma_wait3A_44 = tpu.memref_squeeze %dma_wait3A_43 : memref<1x128xi32, #tpu.memory_space<vmem>> -> memref<128xi32, #tpu.memory_space<vmem>>
      %dma_wait3A_45 = arith.constant 0 : i32
      %dma_wait3A_46 = arith.constant 0 : i32
      %dma_wait3A_47 = tpu.memref_slice %arg2[%dma_wait3A_45, %dma_wait3A_46] : memref<10240x128xf32, #tpu.memory_space<hbm>> -> memref<10240x128xf32, #tpu.memory_space<hbm>>
      tpu.wait_indirect_dma semaphore(%arg10 : memref<!tpu.dma_semaphore, #tpu.memory_space<semaphore_mem>>) src(%dma_wait3A_47 : memref<10240x128xf32, #tpu.memory_space<hbm>>) dst(%arg8 : memref<128x128xf32, #tpu.memory_space<vmem>>)
      "tpu.region"() ({
        %run_scoped3A = tpu.sem_alloc : memref<!tpu.dma_semaphore, #tpu.memory_space<semaphore_mem>>
        %dma_start3A_48 = arith.constant 0 : i32
        %dma_start3A_49 = tpu.memref_slice %arg7[%scan3A_37, %dma_start3A_48] : memref<80x128xi32, #tpu.memory_space<vmem>> -> memref<1x128xi32, #tpu.memory_space<vmem>>
        %dma_start3A_50 = tpu.memref_squeeze %dma_start3A_49 : memref<1x128xi32, #tpu.memory_space<vmem>> -> memref<128xi32, #tpu.memory_space<vmem>>
        %dma_start3A_51 = arith.constant 0 : i32
        %dma_start3A_52 = arith.constant 0 : i32
        %dma_start3A_53 = tpu.memref_slice %arg9[%dma_start3A_51, %dma_start3A_52] : memref<10240x128xf32, #tpu.memory_space<vmem_shared>> -> memref<10240x128xf32, #tpu.memory_space<vmem_shared>>
        tpu.enqueue_indirect_dma source(%arg8 : memref<128x128xf32, #tpu.memory_space<vmem>>) target(%dma_start3A_53 : memref<10240x128xf32, #tpu.memory_space<vmem_shared>>) offsets(%dma_start3A_50 : memref<128xi32, #tpu.memory_space<vmem>>) semaphore(%run_scoped3A : memref<!tpu.dma_semaphore, #tpu.memory_space<semaphore_mem>>) {add = true}
        %dma_wait3A_54 = arith.constant 0 : i32
        %dma_wait3A_55 = tpu.memref_slice %arg7[%scan3A_37, %dma_wait3A_54] : memref<80x128xi32, #tpu.memory_space<vmem>> -> memref<1x128xi32, #tpu.memory_space<vmem>>
        %dma_wait3A_56 = tpu.memref_squeeze %dma_wait3A_55 : memref<1x128xi32, #tpu.memory_space<vmem>> -> memref<128xi32, #tpu.memory_space<vmem>>
        %dma_wait3A_57 = arith.constant 0 : i32
        %dma_wait3A_58 = arith.constant 0 : i32
        %dma_wait3A_59 = tpu.memref_slice %arg9[%dma_wait3A_57, %dma_wait3A_58] : memref<10240x128xf32, #tpu.memory_space<vmem_shared>> -> memref<10240x128xf32, #tpu.memory_space<vmem_shared>>
        tpu.wait_indirect_dma semaphore(%run_scoped3A : memref<!tpu.dma_semaphore, #tpu.memory_space<semaphore_mem>>) src(%arg8 : memref<128x128xf32, #tpu.memory_space<vmem>>) dst(%dma_wait3A_59 : memref<10240x128xf32, #tpu.memory_space<vmem_shared>>)
        tpu.yield
      }) : () -> ()
    }
    %scan3A_31 = arith.constant 80 : i32
    %barrier3A_32 = arith.constant 0 : index
    tpu.barrier barrier_id(%barrier3A_32)
    %mul3A_33 = arith.constant 640 : i32
    %mul3A_34 = arith.muli %arg1, %mul3A_33 : i32
    %mul3A_35 = arith.constant 640 : i32
    %mul3A_36 = arith.muli %arg1, %mul3A_35 : i32
    "tpu.region"() ({
      %run_scoped3A = tpu.sem_alloc : memref<!tpu.dma_semaphore, #tpu.memory_space<semaphore_mem>>
      %dma_start3A = arith.constant 0 : i32
      %dma_start3A_37 = tpu.memref_slice %arg5[%arg0, %mul3A_36, %dma_start3A] : memref<2x10240x128xf32, #tpu.memory_space<hbm>> -> memref<1x640x128xf32, #tpu.memory_space<hbm>>
      %dma_start3A_38 = tpu.memref_squeeze %dma_start3A_37 : memref<1x640x128xf32, #tpu.memory_space<hbm>> -> memref<640x128xf32, #tpu.memory_space<hbm>>
      %dma_start3A_39 = arith.constant 0 : i32
      %dma_start3A_40 = tpu.memref_slice %arg9[%mul3A_34, %dma_start3A_39] : memref<10240x128xf32, #tpu.memory_space<vmem_shared>> -> memref<640x128xf32, #tpu.memory_space<vmem_shared>>
      tpu.enqueue_dma source(%dma_start3A_40 : memref<640x128xf32, #tpu.memory_space<vmem_shared>>) target(%dma_start3A_38 : memref<640x128xf32, #tpu.memory_space<hbm>>) target_semaphore(%run_scoped3A : memref<!tpu.dma_semaphore, #tpu.memory_space<semaphore_mem>>)
      %dma_wait3A = arith.constant 0 : i32
      %dma_wait3A_41 = tpu.memref_slice %arg5[%arg0, %mul3A_36, %dma_wait3A] : memref<2x10240x128xf32, #tpu.memory_space<hbm>> -> memref<1x640x128xf32, #tpu.memory_space<hbm>>
      %dma_wait3A_42 = tpu.memref_squeeze %dma_wait3A_41 : memref<1x640x128xf32, #tpu.memory_space<hbm>> -> memref<640x128xf32, #tpu.memory_space<hbm>>
      %dma_wait3A_43 = arith.constant 0 : i32
      %dma_wait3A_44 = tpu.memref_slice %arg9[%mul3A_34, %dma_wait3A_43] : memref<10240x128xf32, #tpu.memory_space<vmem_shared>> -> memref<640x128xf32, #tpu.memory_space<vmem_shared>>
      tpu.wait_dma2 semaphore(%run_scoped3A : memref<!tpu.dma_semaphore, #tpu.memory_space<semaphore_mem>>) src(%dma_wait3A_44 : memref<640x128xf32, #tpu.memory_space<vmem_shared>>) dst(%dma_wait3A_42 : memref<640x128xf32, #tpu.memory_space<hbm>>)
      tpu.yield
    }) : () -> ()
    return
  }
}

#map = affine_map<(d0, d1) -> (0, 0)>
#map1 = affine_map<(d0, d1) -> (0, 0, 0)>
module attributes {stable_mosaic.version = 14 : i64} {
  func.func @_sc_aggregate(%arg0: i32, %arg1: i32, %arg2: memref<10240x128xf32, #tpu.memory_space<hbm>>, %arg3: memref<32x80x128xi32, #tpu.memory_space<hbm>>, %arg4: memref<32x80x128xi32, #tpu.memory_space<hbm>>, %arg5: memref<2x10240x128xf32, #tpu.memory_space<hbm>>, %arg6: memref<80x128xi32, #tpu.memory_space<vmem>>, %arg7: memref<80x128xi32, #tpu.memory_space<vmem>>, %arg8: memref<128x128xf32, #tpu.memory_space<vmem>>, %arg9: memref<10240x128xf32, #tpu.memory_space<vmem_shared>>, %arg10: memref<!tpu.dma_semaphore, #tpu.memory_space<semaphore_mem>>) attributes {dimension_semantics = [#tpu.dimension_semantics<core_parallel>, #tpu.dimension_semantics<subcore_parallel>], iteration_bounds = array<i64: 2, 16>, scalar_prefetch = 0 : i64, scratch_operands = 5 : i64, tpu.core_type = #tpu.core_type<sc_vector_subcore>, window_params = [{transform_indices = #map}, {transform_indices = #map1}, {transform_indices = #map1}, {transform_indices = #map1}]} {
    %mul3A = arith.constant 16 : i32
    %mul3A_0 = arith.muli %arg0, %mul3A : i32
    %add3A = arith.addi %mul3A_0, %arg1 : i32
    "tpu.region"() ({
      %run_scoped3A = tpu.sem_alloc : memref<!tpu.dma_semaphore, #tpu.memory_space<semaphore_mem>>
      %dma_start3A = arith.constant 0 : i32
      %dma_start3A_37 = arith.constant 0 : i32
      %dma_start3A_38 = tpu.memref_slice %arg3[%add3A, %dma_start3A, %dma_start3A_37] : memref<32x80x128xi32, #tpu.memory_space<hbm>> -> memref<1x80x128xi32, #tpu.memory_space<hbm>>
      %dma_start3A_39 = tpu.memref_squeeze %dma_start3A_38 : memref<1x80x128xi32, #tpu.memory_space<hbm>> -> memref<80x128xi32, #tpu.memory_space<hbm>>
      %dma_start3A_40 = arith.constant 0 : i32
      %dma_start3A_41 = arith.constant 0 : i32
      %dma_start3A_42 = tpu.memref_slice %arg3[%add3A, %dma_start3A_40, %dma_start3A_41] : memref<32x80x128xi32, #tpu.memory_space<hbm>> -> memref<1x80x128xi32, #tpu.memory_space<hbm>>
      %dma_start3A_43 = tpu.memref_squeeze %dma_start3A_42 : memref<1x80x128xi32, #tpu.memory_space<hbm>> -> memref<80x128xi32, #tpu.memory_space<hbm>>
      tpu.enqueue_dma source(%dma_start3A_43 : memref<80x128xi32, #tpu.memory_space<hbm>>) target(%arg6 : memref<80x128xi32, #tpu.memory_space<vmem>>) target_semaphore(%run_scoped3A : memref<!tpu.dma_semaphore, #tpu.memory_space<semaphore_mem>>)
      %dma_wait3A = arith.constant 0 : i32
      %dma_wait3A_44 = arith.constant 0 : i32
      %dma_wait3A_45 = tpu.memref_slice %arg3[%add3A, %dma_wait3A, %dma_wait3A_44] : memref<32x80x128xi32, #tpu.memory_space<hbm>> -> memref<1x80x128xi32, #tpu.memory_space<hbm>>
      %dma_wait3A_46 = tpu.memref_squeeze %dma_wait3A_45 : memref<1x80x128xi32, #tpu.memory_space<hbm>> -> memref<80x128xi32, #tpu.memory_space<hbm>>
      %dma_wait3A_47 = arith.constant 0 : i32
      %dma_wait3A_48 = arith.constant 0 : i32
      %dma_wait3A_49 = tpu.memref_slice %arg3[%add3A, %dma_wait3A_47, %dma_wait3A_48] : memref<32x80x128xi32, #tpu.memory_space<hbm>> -> memref<1x80x128xi32, #tpu.memory_space<hbm>>
      %dma_wait3A_50 = tpu.memref_squeeze %dma_wait3A_49 : memref<1x80x128xi32, #tpu.memory_space<hbm>> -> memref<80x128xi32, #tpu.memory_space<hbm>>
      tpu.wait_dma2 semaphore(%run_scoped3A : memref<!tpu.dma_semaphore, #tpu.memory_space<semaphore_mem>>) src(%dma_wait3A_50 : memref<80x128xi32, #tpu.memory_space<hbm>>) dst(%arg6 : memref<80x128xi32, #tpu.memory_space<vmem>>)
      tpu.yield
    }) : () -> ()
    "tpu.region"() ({
      %run_scoped3A = tpu.sem_alloc : memref<!tpu.dma_semaphore, #tpu.memory_space<semaphore_mem>>
      %dma_start3A = arith.constant 0 : i32
      %dma_start3A_37 = arith.constant 0 : i32
      %dma_start3A_38 = tpu.memref_slice %arg4[%add3A, %dma_start3A, %dma_start3A_37] : memref<32x80x128xi32, #tpu.memory_space<hbm>> -> memref<1x80x128xi32, #tpu.memory_space<hbm>>
      %dma_start3A_39 = tpu.memref_squeeze %dma_start3A_38 : memref<1x80x128xi32, #tpu.memory_space<hbm>> -> memref<80x128xi32, #tpu.memory_space<hbm>>
      %dma_start3A_40 = arith.constant 0 : i32
      %dma_start3A_41 = arith.constant 0 : i32
      %dma_start3A_42 = tpu.memref_slice %arg4[%add3A, %dma_start3A_40, %dma_start3A_41] : memref<32x80x128xi32, #tpu.memory_space<hbm>> -> memref<1x80x128xi32, #tpu.memory_space<hbm>>
      %dma_start3A_43 = tpu.memref_squeeze %dma_start3A_42 : memref<1x80x128xi32, #tpu.memory_space<hbm>> -> memref<80x128xi32, #tpu.memory_space<hbm>>
      tpu.enqueue_dma source(%dma_start3A_43 : memref<80x128xi32, #tpu.memory_space<hbm>>) target(%arg7 : memref<80x128xi32, #tpu.memory_space<vmem>>) target_semaphore(%run_scoped3A : memref<!tpu.dma_semaphore, #tpu.memory_space<semaphore_mem>>)
      %dma_wait3A = arith.constant 0 : i32
      %dma_wait3A_44 = arith.constant 0 : i32
      %dma_wait3A_45 = tpu.memref_slice %arg4[%add3A, %dma_wait3A, %dma_wait3A_44] : memref<32x80x128xi32, #tpu.memory_space<hbm>> -> memref<1x80x128xi32, #tpu.memory_space<hbm>>
      %dma_wait3A_46 = tpu.memref_squeeze %dma_wait3A_45 : memref<1x80x128xi32, #tpu.memory_space<hbm>> -> memref<80x128xi32, #tpu.memory_space<hbm>>
      %dma_wait3A_47 = arith.constant 0 : i32
      %dma_wait3A_48 = arith.constant 0 : i32
      %dma_wait3A_49 = tpu.memref_slice %arg4[%add3A, %dma_wait3A_47, %dma_wait3A_48] : memref<32x80x128xi32, #tpu.memory_space<hbm>> -> memref<1x80x128xi32, #tpu.memory_space<hbm>>
      %dma_wait3A_50 = tpu.memref_squeeze %dma_wait3A_49 : memref<1x80x128xi32, #tpu.memory_space<hbm>> -> memref<80x128xi32, #tpu.memory_space<hbm>>
      tpu.wait_dma2 semaphore(%run_scoped3A : memref<!tpu.dma_semaphore, #tpu.memory_space<semaphore_mem>>) src(%dma_wait3A_50 : memref<80x128xi32, #tpu.memory_space<hbm>>) dst(%arg7 : memref<80x128xi32, #tpu.memory_space<vmem>>)
      tpu.yield
    }) : () -> ()
    %scan3A = arith.constant 0 : i32
    %scan3A_1 = arith.constant 0 : i32
    %scan3A_2 = arith.constant 128 : i32
    %scan3A_3 = arith.addi %scan3A_1, %scan3A_2 : i32
    %scan3A_4 = arith.constant 1 : i32
    scf.for %scan3A_37 = %scan3A_1 to %scan3A_3 step %scan3A_4  : i32 {
      %broadcast_in_dim3A = arith.constant 0.000000e+00 : f32
      %broadcast_in_dim3A_38 = vector.broadcast %broadcast_in_dim3A : f32 to vector<16xf32>
      %swap3A = arith.index_cast %scan3A_37 : i32 to index
      %swap3A_39 = arith.constant 0 : index
      %swap3A_40 = tpu.vector_load %arg8[%swap3A, %swap3A_39] {strides = array<i32>} : memref<128x128xf32, #tpu.memory_space<vmem>>, vector<1x16xf32>,
      %swap3A_41 = vector.shape_cast %swap3A_40 : vector<1x16xf32> to vector<16xf32>
      %swap3A_42 = vector.shape_cast %broadcast_in_dim3A_38 : vector<16xf32> to vector<1x16xf32>
      tpu.vector_store %arg8[%swap3A, %swap3A_39], %swap3A_42 {strides = array<i32>} : memref<128x128xf32, #tpu.memory_space<vmem>>, vector<1x16xf32>,
      %broadcast_in_dim3A_43 = arith.constant 0.000000e+00 : f32
      %broadcast_in_dim3A_44 = vector.broadcast %broadcast_in_dim3A_43 : f32 to vector<16xf32>
      %swap3A_45 = arith.index_cast %scan3A_37 : i32 to index
      %swap3A_46 = arith.constant 16 : index
      %swap3A_47 = tpu.vector_load %arg8[%swap3A_45, %swap3A_46] {strides = array<i32>} : memref<128x128xf32, #tpu.memory_space<vmem>>, vector<1x16xf32>,
      %swap3A_48 = vector.shape_cast %swap3A_47 : vector<1x16xf32> to vector<16xf32>
      %swap3A_49 = vector.shape_cast %broadcast_in_dim3A_44 : vector<16xf32> to vector<1x16xf32>
      tpu.vector_store %arg8[%swap3A_45, %swap3A_46], %swap3A_49 {strides = array<i32>} : memref<128x128xf32, #tpu.memory_space<vmem>>, vector<1x16xf32>,
      %broadcast_in_dim3A_50 = arith.constant 0.000000e+00 : f32
      %broadcast_in_dim3A_51 = vector.broadcast %broadcast_in_dim3A_50 : f32 to vector<16xf32>
      %swap3A_52 = arith.index_cast %scan3A_37 : i32 to index
      %swap3A_53 = arith.constant 32 : index
      %swap3A_54 = tpu.vector_load %arg8[%swap3A_52, %swap3A_53] {strides = array<i32>} : memref<128x128xf32, #tpu.memory_space<vmem>>, vector<1x16xf32>,
      %swap3A_55 = vector.shape_cast %swap3A_54 : vector<1x16xf32> to vector<16xf32>
      %swap3A_56 = vector.shape_cast %broadcast_in_dim3A_51 : vector<16xf32> to vector<1x16xf32>
      tpu.vector_store %arg8[%swap3A_52, %swap3A_53], %swap3A_56 {strides = array<i32>} : memref<128x128xf32, #tpu.memory_space<vmem>>, vector<1x16xf32>,
      %broadcast_in_dim3A_57 = arith.constant 0.000000e+00 : f32
      %broadcast_in_dim3A_58 = vector.broadcast %broadcast_in_dim3A_57 : f32 to vector<16xf32>
      %swap3A_59 = arith.index_cast %scan3A_37 : i32 to index
      %swap3A_60 = arith.constant 48 : index
      %swap3A_61 = tpu.vector_load %arg8[%swap3A_59, %swap3A_60] {strides = array<i32>} : memref<128x128xf32, #tpu.memory_space<vmem>>, vector<1x16xf32>,
      %swap3A_62 = vector.shape_cast %swap3A_61 : vector<1x16xf32> to vector<16xf32>
      %swap3A_63 = vector.shape_cast %broadcast_in_dim3A_58 : vector<16xf32> to vector<1x16xf32>
      tpu.vector_store %arg8[%swap3A_59, %swap3A_60], %swap3A_63 {strides = array<i32>} : memref<128x128xf32, #tpu.memory_space<vmem>>, vector<1x16xf32>,
      %broadcast_in_dim3A_64 = arith.constant 0.000000e+00 : f32
      %broadcast_in_dim3A_65 = vector.broadcast %broadcast_in_dim3A_64 : f32 to vector<16xf32>
      %swap3A_66 = arith.index_cast %scan3A_37 : i32 to index
      %swap3A_67 = arith.constant 64 : index
      %swap3A_68 = tpu.vector_load %arg8[%swap3A_66, %swap3A_67] {strides = array<i32>} : memref<128x128xf32, #tpu.memory_space<vmem>>, vector<1x16xf32>,
      %swap3A_69 = vector.shape_cast %swap3A_68 : vector<1x16xf32> to vector<16xf32>
      %swap3A_70 = vector.shape_cast %broadcast_in_dim3A_65 : vector<16xf32> to vector<1x16xf32>
      tpu.vector_store %arg8[%swap3A_66, %swap3A_67], %swap3A_70 {strides = array<i32>} : memref<128x128xf32, #tpu.memory_space<vmem>>, vector<1x16xf32>,
      %broadcast_in_dim3A_71 = arith.constant 0.000000e+00 : f32
      %broadcast_in_dim3A_72 = vector.broadcast %broadcast_in_dim3A_71 : f32 to vector<16xf32>
      %swap3A_73 = arith.index_cast %scan3A_37 : i32 to index
      %swap3A_74 = arith.constant 80 : index
      %swap3A_75 = tpu.vector_load %arg8[%swap3A_73, %swap3A_74] {strides = array<i32>} : memref<128x128xf32, #tpu.memory_space<vmem>>, vector<1x16xf32>,
      %swap3A_76 = vector.shape_cast %swap3A_75 : vector<1x16xf32> to vector<16xf32>
      %swap3A_77 = vector.shape_cast %broadcast_in_dim3A_72 : vector<16xf32> to vector<1x16xf32>
      tpu.vector_store %arg8[%swap3A_73, %swap3A_74], %swap3A_77 {strides = array<i32>} : memref<128x128xf32, #tpu.memory_space<vmem>>, vector<1x16xf32>,
      %broadcast_in_dim3A_78 = arith.constant 0.000000e+00 : f32
      %broadcast_in_dim3A_79 = vector.broadcast %broadcast_in_dim3A_78 : f32 to vector<16xf32>
      %swap3A_80 = arith.index_cast %scan3A_37 : i32 to index
      %swap3A_81 = arith.constant 96 : index
      %swap3A_82 = tpu.vector_load %arg8[%swap3A_80, %swap3A_81] {strides = array<i32>} : memref<128x128xf32, #tpu.memory_space<vmem>>, vector<1x16xf32>,
      %swap3A_83 = vector.shape_cast %swap3A_82 : vector<1x16xf32> to vector<16xf32>
      %swap3A_84 = vector.shape_cast %broadcast_in_dim3A_79 : vector<16xf32> to vector<1x16xf32>
      tpu.vector_store %arg8[%swap3A_80, %swap3A_81], %swap3A_84 {strides = array<i32>} : memref<128x128xf32, #tpu.memory_space<vmem>>, vector<1x16xf32>,
      %broadcast_in_dim3A_85 = arith.constant 0.000000e+00 : f32
      %broadcast_in_dim3A_86 = vector.broadcast %broadcast_in_dim3A_85 : f32 to vector<16xf32>
      %swap3A_87 = arith.index_cast %scan3A_37 : i32 to index
      %swap3A_88 = arith.constant 112 : index
      %swap3A_89 = tpu.vector_load %arg8[%swap3A_87, %swap3A_88] {strides = array<i32>} : memref<128x128xf32, #tpu.memory_space<vmem>>, vector<1x16xf32>,
      %swap3A_90 = vector.shape_cast %swap3A_89 : vector<1x16xf32> to vector<16xf32>
      %swap3A_91 = vector.shape_cast %broadcast_in_dim3A_86 : vector<16xf32> to vector<1x16xf32>
      tpu.vector_store %arg8[%swap3A_87, %swap3A_88], %swap3A_91 {strides = array<i32>} : memref<128x128xf32, #tpu.memory_space<vmem>>, vector<1x16xf32>,
    }
    %scan3A_5 = arith.constant 128 : i32
    %mul3A_6 = arith.constant 640 : i32
    %mul3A_7 = arith.muli %arg1, %mul3A_6 : i32
    %add3A_8 = arith.constant 0 : i32
    %add3A_9 = arith.addi %mul3A_7, %add3A_8 : i32
    "tpu.region"() ({
      %run_scoped3A = tpu.sem_alloc : memref<!tpu.dma_semaphore, #tpu.memory_space<semaphore_mem>>
      %dma_start3A = arith.constant 0 : i32
      %dma_start3A_37 = tpu.memref_slice %arg9[%add3A_9, %dma_start3A] : memref<10240x128xf32, #tpu.memory_space<vmem_shared>> -> memref<128x128xf32, #tpu.memory_space<vmem_shared>>
      %dma_start3A_38 = arith.constant 0 : i32
      %dma_start3A_39 = tpu.memref_slice %arg9[%add3A_9, %dma_start3A_38] : memref<10240x128xf32, #tpu.memory_space<vmem_shared>> -> memref<128x128xf32, #tpu.memory_space<vmem_shared>>
      tpu.enqueue_dma source(%arg8 : memref<128x128xf32, #tpu.memory_space<vmem>>) target(%dma_start3A_39 : memref<128x128xf32, #tpu.memory_space<vmem_shared>>) target_semaphore(%run_scoped3A : memref<!tpu.dma_semaphore, #tpu.memory_space<semaphore_mem>>)
      %dma_wait3A = arith.constant 0 : i32
      %dma_wait3A_40 = tpu.memref_slice %arg9[%add3A_9, %dma_wait3A] : memref<10240x128xf32, #tpu.memory_space<vmem_shared>> -> memref<128x128xf32, #tpu.memory_space<vmem_shared>>
      %dma_wait3A_41 = arith.constant 0 : i32
      %dma_wait3A_42 = tpu.memref_slice %arg9[%add3A_9, %dma_wait3A_41] : memref<10240x128xf32, #tpu.memory_space<vmem_shared>> -> memref<128x128xf32, #tpu.memory_space<vmem_shared>>
      tpu.wait_dma2 semaphore(%run_scoped3A : memref<!tpu.dma_semaphore, #tpu.memory_space<semaphore_mem>>) src(%arg8 : memref<128x128xf32, #tpu.memory_space<vmem>>) dst(%dma_wait3A_42 : memref<128x128xf32, #tpu.memory_space<vmem_shared>>)
      tpu.yield
    }) : () -> ()
    %mul3A_10 = arith.constant 640 : i32
    %mul3A_11 = arith.muli %arg1, %mul3A_10 : i32
    %add3A_12 = arith.constant 128 : i32
    %add3A_13 = arith.addi %mul3A_11, %add3A_12 : i32
    "tpu.region"() ({
      %run_scoped3A = tpu.sem_alloc : memref<!tpu.dma_semaphore, #tpu.memory_space<semaphore_mem>>
      %dma_start3A = arith.constant 0 : i32
      %dma_start3A_37 = tpu.memref_slice %arg9[%add3A_13, %dma_start3A] : memref<10240x128xf32, #tpu.memory_space<vmem_shared>> -> memref<128x128xf32, #tpu.memory_space<vmem_shared>>
      %dma_start3A_38 = arith.constant 0 : i32
      %dma_start3A_39 = tpu.memref_slice %arg9[%add3A_13, %dma_start3A_38] : memref<10240x128xf32, #tpu.memory_space<vmem_shared>> -> memref<128x128xf32, #tpu.memory_space<vmem_shared>>
      tpu.enqueue_dma source(%arg8 : memref<128x128xf32, #tpu.memory_space<vmem>>) target(%dma_start3A_39 : memref<128x128xf32, #tpu.memory_space<vmem_shared>>) target_semaphore(%run_scoped3A : memref<!tpu.dma_semaphore, #tpu.memory_space<semaphore_mem>>)
      %dma_wait3A = arith.constant 0 : i32
      %dma_wait3A_40 = tpu.memref_slice %arg9[%add3A_13, %dma_wait3A] : memref<10240x128xf32, #tpu.memory_space<vmem_shared>> -> memref<128x128xf32, #tpu.memory_space<vmem_shared>>
      %dma_wait3A_41 = arith.constant 0 : i32
      %dma_wait3A_42 = tpu.memref_slice %arg9[%add3A_13, %dma_wait3A_41] : memref<10240x128xf32, #tpu.memory_space<vmem_shared>> -> memref<128x128xf32, #tpu.memory_space<vmem_shared>>
      tpu.wait_dma2 semaphore(%run_scoped3A : memref<!tpu.dma_semaphore, #tpu.memory_space<semaphore_mem>>) src(%arg8 : memref<128x128xf32, #tpu.memory_space<vmem>>) dst(%dma_wait3A_42 : memref<128x128xf32, #tpu.memory_space<vmem_shared>>)
      tpu.yield
    }) : () -> ()
    %mul3A_14 = arith.constant 640 : i32
    %mul3A_15 = arith.muli %arg1, %mul3A_14 : i32
    %add3A_16 = arith.constant 256 : i32
    %add3A_17 = arith.addi %mul3A_15, %add3A_16 : i32
    "tpu.region"() ({
      %run_scoped3A = tpu.sem_alloc : memref<!tpu.dma_semaphore, #tpu.memory_space<semaphore_mem>>
      %dma_start3A = arith.constant 0 : i32
      %dma_start3A_37 = tpu.memref_slice %arg9[%add3A_17, %dma_start3A] : memref<10240x128xf32, #tpu.memory_space<vmem_shared>> -> memref<128x128xf32, #tpu.memory_space<vmem_shared>>
      %dma_start3A_38 = arith.constant 0 : i32
      %dma_start3A_39 = tpu.memref_slice %arg9[%add3A_17, %dma_start3A_38] : memref<10240x128xf32, #tpu.memory_space<vmem_shared>> -> memref<128x128xf32, #tpu.memory_space<vmem_shared>>
      tpu.enqueue_dma source(%arg8 : memref<128x128xf32, #tpu.memory_space<vmem>>) target(%dma_start3A_39 : memref<128x128xf32, #tpu.memory_space<vmem_shared>>) target_semaphore(%run_scoped3A : memref<!tpu.dma_semaphore, #tpu.memory_space<semaphore_mem>>)
      %dma_wait3A = arith.constant 0 : i32
      %dma_wait3A_40 = tpu.memref_slice %arg9[%add3A_17, %dma_wait3A] : memref<10240x128xf32, #tpu.memory_space<vmem_shared>> -> memref<128x128xf32, #tpu.memory_space<vmem_shared>>
      %dma_wait3A_41 = arith.constant 0 : i32
      %dma_wait3A_42 = tpu.memref_slice %arg9[%add3A_17, %dma_wait3A_41] : memref<10240x128xf32, #tpu.memory_space<vmem_shared>> -> memref<128x128xf32, #tpu.memory_space<vmem_shared>>
      tpu.wait_dma2 semaphore(%run_scoped3A : memref<!tpu.dma_semaphore, #tpu.memory_space<semaphore_mem>>) src(%arg8 : memref<128x128xf32, #tpu.memory_space<vmem>>) dst(%dma_wait3A_42 : memref<128x128xf32, #tpu.memory_space<vmem_shared>>)
      tpu.yield
    }) : () -> ()
    %mul3A_18 = arith.constant 640 : i32
    %mul3A_19 = arith.muli %arg1, %mul3A_18 : i32
    %add3A_20 = arith.constant 384 : i32
    %add3A_21 = arith.addi %mul3A_19, %add3A_20 : i32
    "tpu.region"() ({
      %run_scoped3A = tpu.sem_alloc : memref<!tpu.dma_semaphore, #tpu.memory_space<semaphore_mem>>
      %dma_start3A = arith.constant 0 : i32
      %dma_start3A_37 = tpu.memref_slice %arg9[%add3A_21, %dma_start3A] : memref<10240x128xf32, #tpu.memory_space<vmem_shared>> -> memref<128x128xf32, #tpu.memory_space<vmem_shared>>
      %dma_start3A_38 = arith.constant 0 : i32
      %dma_start3A_39 = tpu.memref_slice %arg9[%add3A_21, %dma_start3A_38] : memref<10240x128xf32, #tpu.memory_space<vmem_shared>> -> memref<128x128xf32, #tpu.memory_space<vmem_shared>>
      tpu.enqueue_dma source(%arg8 : memref<128x128xf32, #tpu.memory_space<vmem>>) target(%dma_start3A_39 : memref<128x128xf32, #tpu.memory_space<vmem_shared>>) target_semaphore(%run_scoped3A : memref<!tpu.dma_semaphore, #tpu.memory_space<semaphore_mem>>)
      %dma_wait3A = arith.constant 0 : i32
      %dma_wait3A_40 = tpu.memref_slice %arg9[%add3A_21, %dma_wait3A] : memref<10240x128xf32, #tpu.memory_space<vmem_shared>> -> memref<128x128xf32, #tpu.memory_space<vmem_shared>>
      %dma_wait3A_41 = arith.constant 0 : i32
      %dma_wait3A_42 = tpu.memref_slice %arg9[%add3A_21, %dma_wait3A_41] : memref<10240x128xf32, #tpu.memory_space<vmem_shared>> -> memref<128x128xf32, #tpu.memory_space<vmem_shared>>
      tpu.wait_dma2 semaphore(%run_scoped3A : memref<!tpu.dma_semaphore, #tpu.memory_space<semaphore_mem>>) src(%arg8 : memref<128x128xf32, #tpu.memory_space<vmem>>) dst(%dma_wait3A_42 : memref<128x128xf32, #tpu.memory_space<vmem_shared>>)
      tpu.yield
    }) : () -> ()
    %mul3A_22 = arith.constant 640 : i32
    %mul3A_23 = arith.muli %arg1, %mul3A_22 : i32
    %add3A_24 = arith.constant 512 : i32
    %add3A_25 = arith.addi %mul3A_23, %add3A_24 : i32
    "tpu.region"() ({
      %run_scoped3A = tpu.sem_alloc : memref<!tpu.dma_semaphore, #tpu.memory_space<semaphore_mem>>
      %dma_start3A = arith.constant 0 : i32
      %dma_start3A_37 = tpu.memref_slice %arg9[%add3A_25, %dma_start3A] : memref<10240x128xf32, #tpu.memory_space<vmem_shared>> -> memref<128x128xf32, #tpu.memory_space<vmem_shared>>
      %dma_start3A_38 = arith.constant 0 : i32
      %dma_start3A_39 = tpu.memref_slice %arg9[%add3A_25, %dma_start3A_38] : memref<10240x128xf32, #tpu.memory_space<vmem_shared>> -> memref<128x128xf32, #tpu.memory_space<vmem_shared>>
      tpu.enqueue_dma source(%arg8 : memref<128x128xf32, #tpu.memory_space<vmem>>) target(%dma_start3A_39 : memref<128x128xf32, #tpu.memory_space<vmem_shared>>) target_semaphore(%run_scoped3A : memref<!tpu.dma_semaphore, #tpu.memory_space<semaphore_mem>>)
      %dma_wait3A = arith.constant 0 : i32
      %dma_wait3A_40 = tpu.memref_slice %arg9[%add3A_25, %dma_wait3A] : memref<10240x128xf32, #tpu.memory_space<vmem_shared>> -> memref<128x128xf32, #tpu.memory_space<vmem_shared>>
      %dma_wait3A_41 = arith.constant 0 : i32
      %dma_wait3A_42 = tpu.memref_slice %arg9[%add3A_25, %dma_wait3A_41] : memref<10240x128xf32, #tpu.memory_space<vmem_shared>> -> memref<128x128xf32, #tpu.memory_space<vmem_shared>>
      tpu.wait_dma2 semaphore(%run_scoped3A : memref<!tpu.dma_semaphore, #tpu.memory_space<semaphore_mem>>) src(%arg8 : memref<128x128xf32, #tpu.memory_space<vmem>>) dst(%dma_wait3A_42 : memref<128x128xf32, #tpu.memory_space<vmem_shared>>)
      tpu.yield
    }) : () -> ()
    %barrier3A = arith.constant 0 : index
    tpu.barrier barrier_id(%barrier3A)
    %scan3A_26 = arith.constant 0 : i32
    %scan3A_27 = arith.constant 0 : i32
    %scan3A_28 = arith.constant 80 : i32
    %scan3A_29 = arith.addi %scan3A_27, %scan3A_28 : i32
    %scan3A_30 = arith.constant 1 : i32
    scf.for %scan3A_37 = %scan3A_27 to %scan3A_29 step %scan3A_30  : i32 {
      %dma_start3A = arith.constant 0 : i32
      %dma_start3A_38 = tpu.memref_slice %arg6[%scan3A_37, %dma_start3A] : memref<80x128xi32, #tpu.memory_space<vmem>> -> memref<1x128xi32, #tpu.memory_space<vmem>>
      %dma_start3A_39 = tpu.memref_squeeze %dma_start3A_38 : memref<1x128xi32, #tpu.memory_space<vmem>> -> memref<128xi32, #tpu.memory_space<vmem>>
      %dma_start3A_40 = arith.constant 0 : i32
      %dma_start3A_41 = arith.constant 0 : i32
      %dma_start3A_42 = tpu.memref_slice %arg2[%dma_start3A_40, %dma_start3A_41] : memref<10240x128xf32, #tpu.memory_space<hbm>> -> memref<10240x128xf32, #tpu.memory_space<hbm>>
      tpu.enqueue_indirect_dma source(%dma_start3A_42 : memref<10240x128xf32, #tpu.memory_space<hbm>>) target(%arg8 : memref<128x128xf32, #tpu.memory_space<vmem>>) offsets(%dma_start3A_39 : memref<128xi32, #tpu.memory_space<vmem>>) semaphore(%arg10 : memref<!tpu.dma_semaphore, #tpu.memory_space<semaphore_mem>>)
      %dma_wait3A = arith.constant 0 : i32
      %dma_wait3A_43 = tpu.memref_slice %arg6[%scan3A_37, %dma_wait3A] : memref<80x128xi32, #tpu.memory_space<vmem>> -> memref<1x128xi32, #tpu.memory_space<vmem>>
      %dma_wait3A_44 = tpu.memref_squeeze %dma_wait3A_43 : memref<1x128xi32, #tpu.memory_space<vmem>> -> memref<128xi32, #tpu.memory_space<vmem>>
      %dma_wait3A_45 = arith.constant 0 : i32
      %dma_wait3A_46 = arith.constant 0 : i32
      %dma_wait3A_47 = tpu.memref_slice %arg2[%dma_wait3A_45, %dma_wait3A_46] : memref<10240x128xf32, #tpu.memory_space<hbm>> -> memref<10240x128xf32, #tpu.memory_space<hbm>>
      tpu.wait_indirect_dma semaphore(%arg10 : memref<!tpu.dma_semaphore, #tpu.memory_space<semaphore_mem>>) src(%dma_wait3A_47 : memref<10240x128xf32, #tpu.memory_space<hbm>>) dst(%arg8 : memref<128x128xf32, #tpu.memory_space<vmem>>)
      "tpu.region"() ({
        %run_scoped3A = tpu.sem_alloc : memref<!tpu.dma_semaphore, #tpu.memory_space<semaphore_mem>>
        %dma_start3A_48 = arith.constant 0 : i32
        %dma_start3A_49 = tpu.memref_slice %arg7[%scan3A_37, %dma_start3A_48] : memref<80x128xi32, #tpu.memory_space<vmem>> -> memref<1x128xi32, #tpu.memory_space<vmem>>
        %dma_start3A_50 = tpu.memref_squeeze %dma_start3A_49 : memref<1x128xi32, #tpu.memory_space<vmem>> -> memref<128xi32, #tpu.memory_space<vmem>>
        %dma_start3A_51 = arith.constant 0 : i32
        %dma_start3A_52 = arith.constant 0 : i32
        %dma_start3A_53 = tpu.memref_slice %arg9[%dma_start3A_51, %dma_start3A_52] : memref<10240x128xf32, #tpu.memory_space<vmem_shared>> -> memref<10240x128xf32, #tpu.memory_space<vmem_shared>>
        tpu.enqueue_indirect_dma source(%arg8 : memref<128x128xf32, #tpu.memory_space<vmem>>) target(%dma_start3A_53 : memref<10240x128xf32, #tpu.memory_space<vmem_shared>>) offsets(%dma_start3A_50 : memref<128xi32, #tpu.memory_space<vmem>>) semaphore(%run_scoped3A : memref<!tpu.dma_semaphore, #tpu.memory_space<semaphore_mem>>) {add = true}
        %dma_wait3A_54 = arith.constant 0 : i32
        %dma_wait3A_55 = tpu.memref_slice %arg7[%scan3A_37, %dma_wait3A_54] : memref<80x128xi32, #tpu.memory_space<vmem>> -> memref<1x128xi32, #tpu.memory_space<vmem>>
        %dma_wait3A_56 = tpu.memref_squeeze %dma_wait3A_55 : memref<1x128xi32, #tpu.memory_space<vmem>> -> memref<128xi32, #tpu.memory_space<vmem>>
        %dma_wait3A_57 = arith.constant 0 : i32
        %dma_wait3A_58 = arith.constant 0 : i32
        %dma_wait3A_59 = tpu.memref_slice %arg9[%dma_wait3A_57, %dma_wait3A_58] : memref<10240x128xf32, #tpu.memory_space<vmem_shared>> -> memref<10240x128xf32, #tpu.memory_space<vmem_shared>>
        tpu.wait_indirect_dma semaphore(%run_scoped3A : memref<!tpu.dma_semaphore, #tpu.memory_space<semaphore_mem>>) src(%arg8 : memref<128x128xf32, #tpu.memory_space<vmem>>) dst(%dma_wait3A_59 : memref<10240x128xf32, #tpu.memory_space<vmem_shared>>)
        tpu.yield
      }) : () -> ()
    }
    %scan3A_31 = arith.constant 80 : i32
    %barrier3A_32 = arith.constant 0 : index
    tpu.barrier barrier_id(%barrier3A_32)
    %mul3A_33 = arith.constant 640 : i32
    %mul3A_34 = arith.muli %arg1, %mul3A_33 : i32
    %mul3A_35 = arith.constant 640 : i32
    %mul3A_36 = arith.muli %arg1, %mul3A_35 : i32
    "tpu.region"() ({
      %run_scoped3A = tpu.sem_alloc : memref<!tpu.dma_semaphore, #tpu.memory_space<semaphore_mem>>
      %dma_start3A = arith.constant 0 : i32
      %dma_start3A_37 = tpu.memref_slice %arg5[%arg0, %mul3A_36, %dma_start3A] : memref<2x10240x128xf32, #tpu.memory_space<hbm>> -> memref<1x640x128xf32, #tpu.memory_space<hbm>>
      %dma_start3A_38 = tpu.memref_squeeze %dma_start3A_37 : memref<1x640x128xf32, #tpu.memory_space<hbm>> -> memref<640x128xf32, #tpu.memory_space<hbm>>
      %dma_start3A_39 = arith.constant 0 : i32
      %dma_start3A_40 = tpu.memref_slice %arg9[%mul3A_34, %dma_start3A_39] : memref<10240x128xf32, #tpu.memory_space<vmem_shared>> -> memref<640x128xf32, #tpu.memory_space<vmem_shared>>
      tpu.enqueue_dma source(%dma_start3A_40 : memref<640x128xf32, #tpu.memory_space<vmem_shared>>) target(%dma_start3A_38 : memref<640x128xf32, #tpu.memory_space<hbm>>) target_semaphore(%run_scoped3A : memref<!tpu.dma_semaphore, #tpu.memory_space<semaphore_mem>>)
      %dma_wait3A = arith.constant 0 : i32
      %dma_wait3A_41 = tpu.memref_slice %arg5[%arg0, %mul3A_36, %dma_wait3A] : memref<2x10240x128xf32, #tpu.memory_space<hbm>> -> memref<1x640x128xf32, #tpu.memory_space<hbm>>
      %dma_wait3A_42 = tpu.memref_squeeze %dma_wait3A_41 : memref<1x640x128xf32, #tpu.memory_space<hbm>> -> memref<640x128xf32, #tpu.memory_space<hbm>>
      %dma_wait3A_43 = arith.constant 0 : i32
      %dma_wait3A_44 = tpu.memref_slice %arg9[%mul3A_34, %dma_wait3A_43] : memref<10240x128xf32, #tpu.memory_space<vmem_shared>> -> memref<640x128xf32, #tpu.memory_space<vmem_shared>>
      tpu.wait_dma2 semaphore(%run_scoped3A : memref<!tpu.dma_semaphore, #tpu.memory_space<semaphore_mem>>) src(%dma_wait3A_44 : memref<640x128xf32, #tpu.memory_space<vmem_shared>>) dst(%dma_wait3A_42 : memref<640x128xf32, #tpu.memory_space<hbm>>)
      tpu.yield
    }) : () -> ()
    return
  }
}

module attributes {stable_mosaic.version = 14 : i64} {
  func.func @_tc1_body(%arg0: i32, %arg1: memref<2048x128xf32, #tpu.memory_space<vmem>>, %arg2: memref<2x2048x16xf32, #tpu.memory_space<vmem>>, %arg3: memref<128x128xf32, #tpu.memory_space<vmem>>, %arg4: memref<1x128xf32, #tpu.memory_space<vmem>>, %arg5: memref<128x128xf32, #tpu.memory_space<vmem>>, %arg6: memref<2048x128xf32, #tpu.memory_space<vmem>>) attributes {dimension_semantics = [#tpu.dimension_semantics<arbitrary>], iteration_bounds = array<i64: 5>, scalar_prefetch = 0 : i64, scratch_operands = 0 : i64, tpu.core_type = #tpu.core_type<tc>, window_params = [{transform_indices = @transform_0, window_bounds = array<i64: 2048, 128>}, {transform_indices = @transform_1, window_bounds = array<i64: 2, 2048, 16>}, {pipeline_mode = #tpu.pipeline_mode<synchronous>, transform_indices = @transform_2, window_bounds = array<i64: 128, 128>}, {pipeline_mode = #tpu.pipeline_mode<synchronous>, transform_indices = @transform_3, window_bounds = array<i64: 1, 128>}, {pipeline_mode = #tpu.pipeline_mode<synchronous>, transform_indices = @transform_4, window_bounds = array<i64: 128, 128>}, {transform_indices = @transform_5, window_bounds = array<i64: 2048, 128>}]} {
    %get3A = arith.constant 0 : index
    %get3A_0 = arith.constant 0 : index
    %get3A_1 = arith.constant 0 : index
    %get3A_2 = vector.load %arg2[%get3A, %get3A_0, %get3A_1] : memref<2x2048x16xf32, #tpu.memory_space<vmem>>, vector<2x2048x16xf32>
    %slice3A = vector.extract_strided_slice %get3A_2 {offsets = [0, 0, 0], sizes = [1, 2048, 1], strides = [1, 1, 1]} : vector<2x2048x16xf32> to vector<1x2048x1xf32>
    %squeeze3A = vector.shape_cast %slice3A : vector<1x2048x1xf32> to vector<2048x1xf32>
    %slice3A_3 = vector.extract_strided_slice %get3A_2 {offsets = [1, 0, 0], sizes = [1, 2048, 1], strides = [1, 1, 1]} : vector<2x2048x16xf32> to vector<1x2048x1xf32>
    %squeeze3A_4 = vector.shape_cast %slice3A_3 : vector<1x2048x1xf32> to vector<2048x1xf32>
    %add3A = arith.addf %squeeze3A, %squeeze3A_4 : vector<2048x1xf32>
    %add3A_5 = arith.constant 1.000000e+00 : f32
    %add3A_6 = vector.broadcast %add3A_5 : f32 to vector<2048x1xf32>
    %add3A_7 = arith.addf %add3A, %add3A_6 : vector<2048x1xf32>
    %mul3A = arith.constant 2048 : i32
    %mul3A_8 = arith.muli %arg0, %mul3A : i32
    %iota3A = tpu.iota {dimensions = array<i32: 0>} : vector<2048x1xi32>
    %add3A_9 = vector.broadcast %mul3A_8 : i32 to vector<2048x1xi32>
    %add3A_10 = arith.addi %add3A_9, %iota3A : vector<2048x1xi32>
    %lt3A = arith.constant 10000 : i32
    %lt3A_11 = vector.broadcast %lt3A : i32 to vector<2048x1xi32>
    %lt3A_12 = arith.cmpi slt, %add3A_10, %lt3A_11 : vector<2048x1xi32>
    %rsqrt3A = math.rsqrt %add3A_7 : vector<2048x1xf32>
    %jit3A = arith.constant 0.000000e+00 : f32
    %broadcast_in_dim3A = vector.broadcast %jit3A : f32 to vector<2048x1xf32>
    %select_n3A = arith.select %lt3A_12, %rsqrt3A, %broadcast_in_dim3A : vector<2048x1xi1>, vector<2048x1xf32>
    %get3A_13 = arith.constant 0 : index
    %get3A_14 = arith.constant 0 : index
    %get3A_15 = vector.load %arg1[%get3A_13, %get3A_14] : memref<2048x128xf32, #tpu.memory_space<vmem>>, vector<2048x128xf32>
    %get3A_16 = arith.constant 0 : index
    %get3A_17 = arith.constant 0 : index
    %get3A_18 = vector.load %arg3[%get3A_16, %get3A_17] : memref<128x128xf32, #tpu.memory_space<vmem>>, vector<128x128xf32>
    %dot_general3A = arith.constant dense<0.000000e+00> : vector<2048x128xf32>
    %dot_general3A_19 = tpu.matmul %get3A_15, %get3A_18, %dot_general3A {dimension_numbers = #tpu.dot_dimension_numbers<[1], [0], [0], [1], [0, 0, 1, 1], [], []>, transpose_lhs_hint = false} : vector<2048x128xf32>, vector<128x128xf32>, vector<2048x128xf32> -> vector<2048x128xf32>
    %get3A_20 = arith.constant 0 : index
    %get3A_21 = arith.constant 0 : index
    %get3A_22 = vector.load %arg4[%get3A_20, %get3A_21] : memref<1x128xf32, #tpu.memory_space<vmem>>, vector<1x128xf32>
    %add3A_23 = vector.broadcast %get3A_22 : vector<1x128xf32> to vector<2048x128xf32>
    %add3A_24 = arith.addf %dot_general3A_19, %add3A_23 : vector<2048x128xf32>
    %ge3A = arith.constant 0.000000e+00 : f32
    %ge3A_25 = vector.broadcast %ge3A : f32 to vector<2048x128xf32>
    %ge3A_26 = arith.cmpf oge, %add3A_24, %ge3A_25 : vector<2048x128xf32>
    %mul3A_27 = arith.constant 4.000000e-01 : f32
    %mul3A_28 = vector.broadcast %mul3A_27 : f32 to vector<2048x128xf32>
    %mul3A_29 = arith.mulf %mul3A_28, %add3A_24 : vector<2048x128xf32>
    %select_n3A_30 = arith.select %ge3A_26, %add3A_24, %mul3A_29 : vector<2048x128xi1>, vector<2048x128xf32>
    %get3A_31 = arith.constant 0 : index
    %get3A_32 = arith.constant 0 : index
    %get3A_33 = vector.load %arg5[%get3A_31, %get3A_32] : memref<128x128xf32, #tpu.memory_space<vmem>>, vector<128x128xf32>
    %dot_general3A_34 = arith.constant dense<0.000000e+00> : vector<2048x128xf32>
    %dot_general3A_35 = tpu.matmul %select_n3A_30, %get3A_33, %dot_general3A_34 {dimension_numbers = #tpu.dot_dimension_numbers<[1], [0], [0], [1], [0, 0, 1, 1], [], []>, transpose_lhs_hint = false} : vector<2048x128xf32>, vector<128x128xf32>, vector<2048x128xf32> -> vector<2048x128xf32>
    %mul3A_36 = vector.broadcast %select_n3A : vector<2048x1xf32> to vector<2048x128xf32>
    %mul3A_37 = arith.mulf %dot_general3A_35, %mul3A_36 : vector<2048x128xf32>
    %swap3A = arith.constant 0 : index
    %swap3A_38 = arith.constant 0 : index
    %swap3A_39 = vector.load %arg6[%swap3A, %swap3A_38] : memref<2048x128xf32, #tpu.memory_space<vmem>>, vector<2048x128xf32>
    tpu.vector_store %arg6[%swap3A, %swap3A_38], %mul3A_37 {strides = array<i32>} : memref<2048x128xf32, #tpu.memory_space<vmem>>, vector<2048x128xf32>,
    return
  }
  func.func @transform_0(%arg0: i32) -> (i32, i32) {
    %c0_i32 = arith.constant 0 : i32
    %c0_i32_0 = arith.constant 0 : i32
    return %arg0, %c0_i32 : i32, i32
  }
  func.func @transform_1(%arg0: i32) -> (i32, i32, i32) {
    %c0_i32 = arith.constant 0 : i32
    %c0_i32_0 = arith.constant 0 : i32
    %c0_i32_1 = arith.constant 0 : i32
    return %c0_i32, %arg0, %c0_i32_0 : i32, i32, i32
  }
  func.func @transform_2(%arg0: i32) -> (i32, i32) {
    %c0_i32 = arith.constant 0 : i32
    %c0_i32_0 = arith.constant 0 : i32
    %c0_i32_1 = arith.constant 0 : i32
    return %c0_i32, %c0_i32_0 : i32, i32
  }
  func.func @transform_3(%arg0: i32) -> (i32, i32) {
    %c0_i32 = arith.constant 0 : i32
    %c0_i32_0 = arith.constant 0 : i32
    %c0_i32_1 = arith.constant 0 : i32
    return %c0_i32, %c0_i32_0 : i32, i32
  }
  func.func @transform_4(%arg0: i32) -> (i32, i32) {
    %c0_i32 = arith.constant 0 : i32
    %c0_i32_0 = arith.constant 0 : i32
    %c0_i32_1 = arith.constant 0 : i32
    return %c0_i32, %c0_i32_0 : i32, i32
  }
  func.func @transform_5(%arg0: i32) -> (i32, i32) {
    %c0_i32 = arith.constant 0 : i32
    %c0_i32_0 = arith.constant 0 : i32
    return %arg0, %c0_i32 : i32, i32
  }
}

module attributes {stable_mosaic.version = 14 : i64} {
  func.func @_tc2_body(%arg0: i32, %arg1: memref<2x2048x128xf32, #tpu.memory_space<vmem>>, %arg2: memref<2048x128xf32, #tpu.memory_space<vmem>>, %arg3: memref<2x2048x16xf32, #tpu.memory_space<vmem>>, %arg4: memref<1x128xf32, #tpu.memory_space<vmem>>, %arg5: memref<128x128xf32, #tpu.memory_space<vmem>>, %arg6: memref<2048x128xf32, #tpu.memory_space<vmem>>) attributes {dimension_semantics = [#tpu.dimension_semantics<arbitrary>], iteration_bounds = array<i64: 5>, scalar_prefetch = 0 : i64, scratch_operands = 0 : i64, tpu.core_type = #tpu.core_type<tc>, window_params = [{transform_indices = @transform_0, window_bounds = array<i64: 2, 2048, 128>}, {transform_indices = @transform_1, window_bounds = array<i64: 2048, 128>}, {transform_indices = @transform_2, window_bounds = array<i64: 2, 2048, 16>}, {pipeline_mode = #tpu.pipeline_mode<synchronous>, transform_indices = @transform_3, window_bounds = array<i64: 1, 128>}, {pipeline_mode = #tpu.pipeline_mode<synchronous>, transform_indices = @transform_4, window_bounds = array<i64: 128, 128>}, {transform_indices = @transform_5, window_bounds = array<i64: 2048, 128>}]} {
    %get3A = arith.constant 0 : index
    %get3A_0 = arith.constant 0 : index
    %get3A_1 = arith.constant 0 : index
    %get3A_2 = vector.load %arg3[%get3A, %get3A_0, %get3A_1] : memref<2x2048x16xf32, #tpu.memory_space<vmem>>, vector<2x2048x16xf32>
    %slice3A = vector.extract_strided_slice %get3A_2 {offsets = [0, 0, 0], sizes = [1, 2048, 1], strides = [1, 1, 1]} : vector<2x2048x16xf32> to vector<1x2048x1xf32>
    %squeeze3A = vector.shape_cast %slice3A : vector<1x2048x1xf32> to vector<2048x1xf32>
    %slice3A_3 = vector.extract_strided_slice %get3A_2 {offsets = [1, 0, 0], sizes = [1, 2048, 1], strides = [1, 1, 1]} : vector<2x2048x16xf32> to vector<1x2048x1xf32>
    %squeeze3A_4 = vector.shape_cast %slice3A_3 : vector<1x2048x1xf32> to vector<2048x1xf32>
    %add3A = arith.addf %squeeze3A, %squeeze3A_4 : vector<2048x1xf32>
    %add3A_5 = arith.constant 1.000000e+00 : f32
    %add3A_6 = vector.broadcast %add3A_5 : f32 to vector<2048x1xf32>
    %add3A_7 = arith.addf %add3A, %add3A_6 : vector<2048x1xf32>
    %mul3A = arith.constant 2048 : i32
    %mul3A_8 = arith.muli %arg0, %mul3A : i32
    %iota3A = tpu.iota {dimensions = array<i32: 0>} : vector<2048x1xi32>
    %add3A_9 = vector.broadcast %mul3A_8 : i32 to vector<2048x1xi32>
    %add3A_10 = arith.addi %add3A_9, %iota3A : vector<2048x1xi32>
    %lt3A = arith.constant 10000 : i32
    %lt3A_11 = vector.broadcast %lt3A : i32 to vector<2048x1xi32>
    %lt3A_12 = arith.cmpi slt, %add3A_10, %lt3A_11 : vector<2048x1xi32>
    %rsqrt3A = math.rsqrt %add3A_7 : vector<2048x1xf32>
    %jit3A = arith.constant 0.000000e+00 : f32
    %broadcast_in_dim3A = vector.broadcast %jit3A : f32 to vector<2048x1xf32>
    %select_n3A = arith.select %lt3A_12, %rsqrt3A, %broadcast_in_dim3A : vector<2048x1xi1>, vector<2048x1xf32>
    %get3A_13 = arith.constant 0 : index
    %get3A_14 = arith.constant 0 : index
    %get3A_15 = arith.constant 0 : index
    %get3A_16 = vector.load %arg1[%get3A_13, %get3A_14, %get3A_15] : memref<2x2048x128xf32, #tpu.memory_space<vmem>>, vector<1x2048x128xf32>
    %get3A_17 = vector.shape_cast %get3A_16 : vector<1x2048x128xf32> to vector<2048x128xf32>
    %get3A_18 = arith.constant 1 : index
    %get3A_19 = arith.constant 0 : index
    %get3A_20 = arith.constant 0 : index
    %get3A_21 = vector.load %arg1[%get3A_18, %get3A_19, %get3A_20] : memref<2x2048x128xf32, #tpu.memory_space<vmem>>, vector<1x2048x128xf32>
    %get3A_22 = vector.shape_cast %get3A_21 : vector<1x2048x128xf32> to vector<2048x128xf32>
    %add3A_23 = arith.addf %get3A_17, %get3A_22 : vector<2048x128xf32>
    %get3A_24 = arith.constant 0 : index
    %get3A_25 = arith.constant 0 : index
    %get3A_26 = vector.load %arg2[%get3A_24, %get3A_25] : memref<2048x128xf32, #tpu.memory_space<vmem>>, vector<2048x128xf32>
    %add3A_27 = arith.addf %add3A_23, %get3A_26 : vector<2048x128xf32>
    %mul3A_28 = vector.broadcast %select_n3A : vector<2048x1xf32> to vector<2048x128xf32>
    %mul3A_29 = arith.mulf %add3A_27, %mul3A_28 : vector<2048x128xf32>
    %get3A_30 = arith.constant 0 : index
    %get3A_31 = arith.constant 0 : index
    %get3A_32 = vector.load %arg4[%get3A_30, %get3A_31] : memref<1x128xf32, #tpu.memory_space<vmem>>, vector<1x128xf32>
    %add3A_33 = vector.broadcast %get3A_32 : vector<1x128xf32> to vector<2048x128xf32>
    %add3A_34 = arith.addf %mul3A_29, %add3A_33 : vector<2048x128xf32>
    %ge3A = arith.constant 0.000000e+00 : f32
    %ge3A_35 = vector.broadcast %ge3A : f32 to vector<2048x128xf32>
    %ge3A_36 = arith.cmpf oge, %add3A_34, %ge3A_35 : vector<2048x128xf32>
    %mul3A_37 = arith.constant 4.000000e-01 : f32
    %mul3A_38 = vector.broadcast %mul3A_37 : f32 to vector<2048x128xf32>
    %mul3A_39 = arith.mulf %mul3A_38, %add3A_34 : vector<2048x128xf32>
    %select_n3A_40 = arith.select %ge3A_36, %add3A_34, %mul3A_39 : vector<2048x128xi1>, vector<2048x128xf32>
    %get3A_41 = arith.constant 0 : index
    %get3A_42 = arith.constant 0 : index
    %get3A_43 = vector.load %arg5[%get3A_41, %get3A_42] : memref<128x128xf32, #tpu.memory_space<vmem>>, vector<128x128xf32>
    %dot_general3A = arith.constant dense<0.000000e+00> : vector<2048x128xf32>
    %dot_general3A_44 = tpu.matmul %select_n3A_40, %get3A_43, %dot_general3A {dimension_numbers = #tpu.dot_dimension_numbers<[1], [0], [0], [1], [0, 0, 1, 1], [], []>, transpose_lhs_hint = false} : vector<2048x128xf32>, vector<128x128xf32>, vector<2048x128xf32> -> vector<2048x128xf32>
    %mul3A_45 = vector.broadcast %select_n3A : vector<2048x1xf32> to vector<2048x128xf32>
    %mul3A_46 = arith.mulf %dot_general3A_44, %mul3A_45 : vector<2048x128xf32>
    %swap3A = arith.constant 0 : index
    %swap3A_47 = arith.constant 0 : index
    %swap3A_48 = vector.load %arg6[%swap3A, %swap3A_47] : memref<2048x128xf32, #tpu.memory_space<vmem>>, vector<2048x128xf32>
    tpu.vector_store %arg6[%swap3A, %swap3A_47], %mul3A_46 {strides = array<i32>} : memref<2048x128xf32, #tpu.memory_space<vmem>>, vector<2048x128xf32>,
    return
  }
  func.func @transform_0(%arg0: i32) -> (i32, i32, i32) {
    %c0_i32 = arith.constant 0 : i32
    %c0_i32_0 = arith.constant 0 : i32
    %c0_i32_1 = arith.constant 0 : i32
    return %c0_i32, %arg0, %c0_i32_0 : i32, i32, i32
  }
  func.func @transform_1(%arg0: i32) -> (i32, i32) {
    %c0_i32 = arith.constant 0 : i32
    %c0_i32_0 = arith.constant 0 : i32
    return %arg0, %c0_i32 : i32, i32
  }
  func.func @transform_2(%arg0: i32) -> (i32, i32, i32) {
    %c0_i32 = arith.constant 0 : i32
    %c0_i32_0 = arith.constant 0 : i32
    %c0_i32_1 = arith.constant 0 : i32
    return %c0_i32, %arg0, %c0_i32_0 : i32, i32, i32
  }
  func.func @transform_3(%arg0: i32) -> (i32, i32) {
    %c0_i32 = arith.constant 0 : i32
    %c0_i32_0 = arith.constant 0 : i32
    %c0_i32_1 = arith.constant 0 : i32
    return %c0_i32, %c0_i32_0 : i32, i32
  }
  func.func @transform_4(%arg0: i32) -> (i32, i32) {
    %c0_i32 = arith.constant 0 : i32
    %c0_i32_0 = arith.constant 0 : i32
    %c0_i32_1 = arith.constant 0 : i32
    return %c0_i32, %c0_i32_0 : i32, i32
  }
  func.func @transform_5(%arg0: i32) -> (i32, i32) {
    %c0_i32 = arith.constant 0 : i32
    %c0_i32_0 = arith.constant 0 : i32
    return %arg0, %c0_i32 : i32, i32
  }
}

module attributes {stable_mosaic.version = 14 : i64} {
  func.func @_tc3_body(%arg0: i32, %arg1: memref<2x2048x128xf32, #tpu.memory_space<vmem>>, %arg2: memref<2048x128xf32, #tpu.memory_space<vmem>>, %arg3: memref<2x2048x16xf32, #tpu.memory_space<vmem>>, %arg4: memref<1x128xf32, #tpu.memory_space<vmem>>, %arg5: memref<2048x1xi32, #tpu.memory_space<vmem>>, %arg6: memref<128x128xf32, #tpu.memory_space<vmem>>, %arg7: memref<1x128xf32, #tpu.memory_space<vmem>>, %arg8: memref<64x128xf32, #tpu.memory_space<vmem>>, %arg9: memref<64x128xf32, #tpu.memory_space<vmem>>, %arg10: memref<64x1xf32, #tpu.memory_space<vmem>>) attributes {dimension_semantics = [#tpu.dimension_semantics<arbitrary>], iteration_bounds = array<i64: 5>, scalar_prefetch = 0 : i64, scratch_operands = 2 : i64, tpu.core_type = #tpu.core_type<tc>, window_params = [{transform_indices = @transform_0, window_bounds = array<i64: 2, 2048, 128>}, {transform_indices = @transform_1, window_bounds = array<i64: 2048, 128>}, {transform_indices = @transform_2, window_bounds = array<i64: 2, 2048, 16>}, {pipeline_mode = #tpu.pipeline_mode<synchronous>, transform_indices = @transform_3, window_bounds = array<i64: 1, 128>}, {transform_indices = @transform_4, window_bounds = array<i64: 2048, 1>}, {pipeline_mode = #tpu.pipeline_mode<synchronous>, transform_indices = @transform_5, window_bounds = array<i64: 128, 128>}, {pipeline_mode = #tpu.pipeline_mode<synchronous>, transform_indices = @transform_6, window_bounds = array<i64: 1, 128>}, {pipeline_mode = #tpu.pipeline_mode<synchronous>, transform_indices = @transform_7, window_bounds = array<i64: 64, 128>}]} {
    %eq3A = arith.constant 0 : i32
    %eq3A_0 = arith.cmpi eq, %arg0, %eq3A : i32
    %convert_element_type3A = arith.extui %eq3A_0 : i1 to i32
    %cond3A = arith.constant 0 : i32
    %cond3A_1 = arith.cmpi ne, %convert_element_type3A, %cond3A : i32
    scf.if %cond3A_1 {
      %broadcast_in_dim3A_75 = arith.constant 0.000000e+00 : f32
      %broadcast_in_dim3A_76 = vector.broadcast %broadcast_in_dim3A_75 : f32 to vector<64x128xf32>
      %swap3A_77 = arith.constant 0 : index
      %swap3A_78 = arith.constant 0 : index
      %swap3A_79 = vector.load %arg9[%swap3A_77, %swap3A_78] : memref<64x128xf32, #tpu.memory_space<vmem>>, vector<64x128xf32>
      tpu.vector_store %arg9[%swap3A_77, %swap3A_78], %broadcast_in_dim3A_76 {strides = array<i32>} : memref<64x128xf32, #tpu.memory_space<vmem>>, vector<64x128xf32>,
      %broadcast_in_dim3A_80 = arith.constant 0.000000e+00 : f32
      %broadcast_in_dim3A_81 = vector.broadcast %broadcast_in_dim3A_80 : f32 to vector<64x1xf32>
      %swap3A_82 = arith.constant 0 : index
      %swap3A_83 = arith.constant 0 : index
      %swap3A_84 = vector.load %arg10[%swap3A_82, %swap3A_83] : memref<64x1xf32, #tpu.memory_space<vmem>>, vector<64x1xf32>
      tpu.vector_store %arg10[%swap3A_82, %swap3A_83], %broadcast_in_dim3A_81 {strides = array<i32>} : memref<64x1xf32, #tpu.memory_space<vmem>>, vector<64x1xf32>,
    } else {
    }
    %get3A = arith.constant 0 : index
    %get3A_2 = arith.constant 0 : index
    %get3A_3 = arith.constant 0 : index
    %get3A_4 = vector.load %arg3[%get3A, %get3A_2, %get3A_3] : memref<2x2048x16xf32, #tpu.memory_space<vmem>>, vector<2x2048x16xf32>
    %slice3A = vector.extract_strided_slice %get3A_4 {offsets = [0, 0, 0], sizes = [1, 2048, 1], strides = [1, 1, 1]} : vector<2x2048x16xf32> to vector<1x2048x1xf32>
    %squeeze3A = vector.shape_cast %slice3A : vector<1x2048x1xf32> to vector<2048x1xf32>
    %slice3A_5 = vector.extract_strided_slice %get3A_4 {offsets = [1, 0, 0], sizes = [1, 2048, 1], strides = [1, 1, 1]} : vector<2x2048x16xf32> to vector<1x2048x1xf32>
    %squeeze3A_6 = vector.shape_cast %slice3A_5 : vector<1x2048x1xf32> to vector<2048x1xf32>
    %add3A = arith.addf %squeeze3A, %squeeze3A_6 : vector<2048x1xf32>
    %add3A_7 = arith.constant 1.000000e+00 : f32
    %add3A_8 = vector.broadcast %add3A_7 : f32 to vector<2048x1xf32>
    %add3A_9 = arith.addf %add3A, %add3A_8 : vector<2048x1xf32>
    %mul3A = arith.constant 2048 : i32
    %mul3A_10 = arith.muli %arg0, %mul3A : i32
    %iota3A = tpu.iota {dimensions = array<i32: 0>} : vector<2048x1xi32>
    %add3A_11 = vector.broadcast %mul3A_10 : i32 to vector<2048x1xi32>
    %add3A_12 = arith.addi %add3A_11, %iota3A : vector<2048x1xi32>
    %lt3A = arith.constant 10000 : i32
    %lt3A_13 = vector.broadcast %lt3A : i32 to vector<2048x1xi32>
    %lt3A_14 = arith.cmpi slt, %add3A_12, %lt3A_13 : vector<2048x1xi32>
    %rsqrt3A = math.rsqrt %add3A_9 : vector<2048x1xf32>
    %jit3A = arith.constant 0.000000e+00 : f32
    %broadcast_in_dim3A = vector.broadcast %jit3A : f32 to vector<2048x1xf32>
    %select_n3A = arith.select %lt3A_14, %rsqrt3A, %broadcast_in_dim3A : vector<2048x1xi1>, vector<2048x1xf32>
    %get3A_15 = arith.constant 0 : index
    %get3A_16 = arith.constant 0 : index
    %get3A_17 = arith.constant 0 : index
    %get3A_18 = vector.load %arg1[%get3A_15, %get3A_16, %get3A_17] : memref<2x2048x128xf32, #tpu.memory_space<vmem>>, vector<1x2048x128xf32>
    %get3A_19 = vector.shape_cast %get3A_18 : vector<1x2048x128xf32> to vector<2048x128xf32>
    %get3A_20 = arith.constant 1 : index
    %get3A_21 = arith.constant 0 : index
    %get3A_22 = arith.constant 0 : index
    %get3A_23 = vector.load %arg1[%get3A_20, %get3A_21, %get3A_22] : memref<2x2048x128xf32, #tpu.memory_space<vmem>>, vector<1x2048x128xf32>
    %get3A_24 = vector.shape_cast %get3A_23 : vector<1x2048x128xf32> to vector<2048x128xf32>
    %add3A_25 = arith.addf %get3A_19, %get3A_24 : vector<2048x128xf32>
    %get3A_26 = arith.constant 0 : index
    %get3A_27 = arith.constant 0 : index
    %get3A_28 = vector.load %arg2[%get3A_26, %get3A_27] : memref<2048x128xf32, #tpu.memory_space<vmem>>, vector<2048x128xf32>
    %add3A_29 = arith.addf %add3A_25, %get3A_28 : vector<2048x128xf32>
    %mul3A_30 = vector.broadcast %select_n3A : vector<2048x1xf32> to vector<2048x128xf32>
    %mul3A_31 = arith.mulf %add3A_29, %mul3A_30 : vector<2048x128xf32>
    %get3A_32 = arith.constant 0 : index
    %get3A_33 = arith.constant 0 : index
    %get3A_34 = vector.load %arg4[%get3A_32, %get3A_33] : memref<1x128xf32, #tpu.memory_space<vmem>>, vector<1x128xf32>
    %add3A_35 = vector.broadcast %get3A_34 : vector<1x128xf32> to vector<2048x128xf32>
    %add3A_36 = arith.addf %mul3A_31, %add3A_35 : vector<2048x128xf32>
    %ge3A = arith.constant 0.000000e+00 : f32
    %ge3A_37 = vector.broadcast %ge3A : f32 to vector<2048x128xf32>
    %ge3A_38 = arith.cmpf oge, %add3A_36, %ge3A_37 : vector<2048x128xf32>
    %mul3A_39 = arith.constant 4.000000e-01 : f32
    %mul3A_40 = vector.broadcast %mul3A_39 : f32 to vector<2048x128xf32>
    %mul3A_41 = arith.mulf %mul3A_40, %add3A_36 : vector<2048x128xf32>
    %select_n3A_42 = arith.select %ge3A_38, %add3A_36, %mul3A_41 : vector<2048x128xi1>, vector<2048x128xf32>
    %get3A_43 = arith.constant 0 : index
    %get3A_44 = arith.constant 0 : index
    %get3A_45 = vector.load %arg5[%get3A_43, %get3A_44] : memref<2048x1xi32, #tpu.memory_space<vmem>>, vector<2048x1xi32>
    %iota3A_46 = tpu.iota {dimensions = array<i32: 1>} : vector<1x64xi32>
    %eq3A_47 = vector.broadcast %get3A_45 : vector<2048x1xi32> to vector<2048x64xi32>
    %eq3A_48 = vector.broadcast %iota3A_46 : vector<1x64xi32> to vector<2048x64xi32>
    %eq3A_49 = arith.cmpi eq, %eq3A_47, %eq3A_48 : vector<2048x64xi32>
    %convert_element_type3A_50 = arith.extui %eq3A_49 : vector<2048x64xi1> to vector<2048x64xi32>
    %convert_element_type3A_51 = arith.sitofp %convert_element_type3A_50 : vector<2048x64xi32> to vector<2048x64xf32>
    %get3A_52 = arith.constant 0 : index
    %get3A_53 = arith.constant 0 : index
    %get3A_54 = vector.load %arg9[%get3A_52, %get3A_53] : memref<64x128xf32, #tpu.memory_space<vmem>>, vector<64x128xf32>
    %dot_general3A = arith.constant dense<0.000000e+00> : vector<64x128xf32>
    %dot_general3A_55 = tpu.matmul %convert_element_type3A_51, %select_n3A_42, %dot_general3A {dimension_numbers = #tpu.dot_dimension_numbers<[0], [0], [1], [1], [0, 1, 1, 1], [], []>, transpose_lhs_hint = false} : vector<2048x64xf32>, vector<2048x128xf32>, vector<64x128xf32> -> vector<64x128xf32>
    %add3A_56 = arith.addf %get3A_54, %dot_general3A_55 : vector<64x128xf32>
    %swap3A = arith.constant 0 : index
    %swap3A_57 = arith.constant 0 : index
    %swap3A_58 = vector.load %arg9[%swap3A, %swap3A_57] : memref<64x128xf32, #tpu.memory_space<vmem>>, vector<64x128xf32>
    tpu.vector_store %arg9[%swap3A, %swap3A_57], %add3A_56 {strides = array<i32>} : memref<64x128xf32, #tpu.memory_space<vmem>>, vector<64x128xf32>,
    %get3A_59 = arith.constant 0 : index
    %get3A_60 = arith.constant 0 : index
    %get3A_61 = vector.load %arg10[%get3A_59, %get3A_60] : memref<64x1xf32, #tpu.memory_space<vmem>>, vector<64x1xf32>
    %broadcast_in_dim3A_62 = arith.constant 1.000000e+00 : f32
    %broadcast_in_dim3A_63 = vector.broadcast %broadcast_in_dim3A_62 : f32 to vector<2048x1xf32>
    %dot_general3A_64 = arith.constant dense<0.000000e+00> : vector<64x1xf32>
    %dot_general3A_65 = tpu.matmul %convert_element_type3A_51, %broadcast_in_dim3A_63, %dot_general3A_64 {dimension_numbers = #tpu.dot_dimension_numbers<[0], [0], [1], [1], [0, 1, 1, 1], [], []>, transpose_lhs_hint = false} : vector<2048x64xf32>, vector<2048x1xf32>, vector<64x1xf32> -> vector<64x1xf32>
    %add3A_66 = arith.addf %get3A_61, %dot_general3A_65 : vector<64x1xf32>
    %swap3A_67 = arith.constant 0 : index
    %swap3A_68 = arith.constant 0 : index
    %swap3A_69 = vector.load %arg10[%swap3A_67, %swap3A_68] : memref<64x1xf32, #tpu.memory_space<vmem>>, vector<64x1xf32>
    tpu.vector_store %arg10[%swap3A_67, %swap3A_68], %add3A_66 {strides = array<i32>} : memref<64x1xf32, #tpu.memory_space<vmem>>, vector<64x1xf32>,
    %eq3A_70 = arith.constant 4 : i32
    %eq3A_71 = arith.cmpi eq, %arg0, %eq3A_70 : i32
    %convert_element_type3A_72 = arith.extui %eq3A_71 : i1 to i32
    %cond3A_73 = arith.constant 0 : i32
    %cond3A_74 = arith.cmpi ne, %convert_element_type3A_72, %cond3A_73 : i32
    scf.if %cond3A_74 {
      %get3A_75 = arith.constant 0 : index
      %get3A_76 = arith.constant 0 : index
      %get3A_77 = vector.load %arg9[%get3A_75, %get3A_76] : memref<64x128xf32, #tpu.memory_space<vmem>>, vector<64x128xf32>
      %get3A_78 = arith.constant 0 : index
      %get3A_79 = arith.constant 0 : index
      %get3A_80 = vector.load %arg10[%get3A_78, %get3A_79] : memref<64x1xf32, #tpu.memory_space<vmem>>, vector<64x1xf32>
      %max3A = arith.constant 1.000000e+00 : f32
      %max3A_81 = vector.broadcast %max3A : f32 to vector<64x1xf32>
      %max3A_82 = arith.maximumf %get3A_80, %max3A_81 : vector<64x1xf32>
      %div3A = vector.broadcast %max3A_82 : vector<64x1xf32> to vector<64x128xf32>
      %div3A_83 = arith.divf %get3A_77, %div3A : vector<64x128xf32>
      %get3A_84 = arith.constant 0 : index
      %get3A_85 = arith.constant 0 : index
      %get3A_86 = vector.load %arg6[%get3A_84, %get3A_85] : memref<128x128xf32, #tpu.memory_space<vmem>>, vector<128x128xf32>
      %dot_general3A_87 = arith.constant dense<0.000000e+00> : vector<64x128xf32>
      %dot_general3A_88 = tpu.matmul %div3A_83, %get3A_86, %dot_general3A_87 {dimension_numbers = #tpu.dot_dimension_numbers<[1], [0], [0], [1], [0, 0, 1, 1], [], []>, transpose_lhs_hint = false} : vector<64x128xf32>, vector<128x128xf32>, vector<64x128xf32> -> vector<64x128xf32>
      %get3A_89 = arith.constant 0 : index
      %get3A_90 = arith.constant 0 : index
      %get3A_91 = vector.load %arg7[%get3A_89, %get3A_90] : memref<1x128xf32, #tpu.memory_space<vmem>>, vector<1x128xf32>
      %add3A_92 = vector.broadcast %get3A_91 : vector<1x128xf32> to vector<64x128xf32>
      %add3A_93 = arith.addf %dot_general3A_88, %add3A_92 : vector<64x128xf32>
      %swap3A_94 = arith.constant 0 : index
      %swap3A_95 = arith.constant 0 : index
      %swap3A_96 = vector.load %arg8[%swap3A_94, %swap3A_95] : memref<64x128xf32, #tpu.memory_space<vmem>>, vector<64x128xf32>
      tpu.vector_store %arg8[%swap3A_94, %swap3A_95], %add3A_93 {strides = array<i32>} : memref<64x128xf32, #tpu.memory_space<vmem>>, vector<64x128xf32>,
    } else {
    }
    return
  }
  func.func @transform_0(%arg0: i32) -> (i32, i32, i32) {
    %c0_i32 = arith.constant 0 : i32
    %c0_i32_0 = arith.constant 0 : i32
    %c0_i32_1 = arith.constant 0 : i32
    return %c0_i32, %arg0, %c0_i32_0 : i32, i32, i32
  }
  func.func @transform_1(%arg0: i32) -> (i32, i32) {
    %c0_i32 = arith.constant 0 : i32
    %c0_i32_0 = arith.constant 0 : i32
    return %arg0, %c0_i32 : i32, i32
  }
  func.func @transform_2(%arg0: i32) -> (i32, i32, i32) {
    %c0_i32 = arith.constant 0 : i32
    %c0_i32_0 = arith.constant 0 : i32
    %c0_i32_1 = arith.constant 0 : i32
    return %c0_i32, %arg0, %c0_i32_0 : i32, i32, i32
  }
  func.func @transform_3(%arg0: i32) -> (i32, i32) {
    %c0_i32 = arith.constant 0 : i32
    %c0_i32_0 = arith.constant 0 : i32
    %c0_i32_1 = arith.constant 0 : i32
    return %c0_i32, %c0_i32_0 : i32, i32
  }
  func.func @transform_4(%arg0: i32) -> (i32, i32) {
    %c0_i32 = arith.constant 0 : i32
    %c0_i32_0 = arith.constant 0 : i32
    return %arg0, %c0_i32 : i32, i32
  }
  func.func @transform_5(%arg0: i32) -> (i32, i32) {
    %c0_i32 = arith.constant 0 : i32
    %c0_i32_0 = arith.constant 0 : i32
    %c0_i32_1 = arith.constant 0 : i32
    return %c0_i32, %c0_i32_0 : i32, i32
  }
  func.func @transform_6(%arg0: i32) -> (i32, i32) {
    %c0_i32 = arith.constant 0 : i32
    %c0_i32_0 = arith.constant 0 : i32
    %c0_i32_1 = arith.constant 0 : i32
    return %c0_i32, %c0_i32_0 : i32, i32
  }
  func.func @transform_7(%arg0: i32) -> (i32, i32) {
    %c0_i32 = arith.constant 0 : i32
    %c0_i32_0 = arith.constant 0 : i32
    %c0_i32_1 = arith.constant 0 : i32
    return %c0_i32, %c0_i32_0 : i32, i32
  }
}

</mosaic_0001>

<sc_bundles>
// kernel: kernel.11.cloned.1.call-start
scs
__scs_entry_jumppad:
0x0: {  	(pc) =	sbr.rel $0x88, $3  }
0x1: {  	(tag) =	ssettag $0x0;
	lr =	simm.s32 $0x1  }
0x2: {  	[smem:$0x3F96] =	sst lr;
	_ =	strace $0xD0000000  }
0x3: {  	_ = 	snop  }
0x4: {  	_ = 	snop  }
0x5: {  	_ = 	snop  }
0x6: {  	_ = 	snop  }
0x7: {  	_ = 	snop  }
__scs_overlays_trampoline_lowered:
0x8: {  	[smem:$0x3FA5] =	sst s0  }
0x9: {  	[smem:$0x3FA6] =	sst s1  }
0xa: {  	[smem:$0x3FA7] =	sst s2  }
0xb: {  	[smem:$0x3FA8] =	sst s3  }
0xc: {  	[smem:$0x3FA9] =	sst s4  }
0xd: {  	[smem:$0x3FAA] =	sst s5  }
0xe: {  	[smem:$0x3FAB] =	sst s6  }
0xf: {  	[smem:$0x3FAC] =	sst s7  }
0x10: {  	[smem:$0x3FAD] =	sst s8  }
0x11: {  	[smem:$0x3FAE] =	sst s9;
	s0 =	simm.s32 @!p0 $0x0  }
0x12: {  	s1 =	sld [smem:$0x3F94];
	s0 =	simm.s32 @p0 $0x1  }
0x13: {  	[smem:$0x3FAF] =	sst s0;
	s0 =	simm.s32 @!p1 $0x0  }
0x14: {  	s2 =	sld [smem:$0x3F93];
	s0 =	simm.s32 @p1 $0x1  }
0x15: {  	[smem:$0x3FB0] =	sst s0;
	s0 =	simm.s32 @!p2 $0x0  }
0x16: {  	s3 =	sld [smem:$0x3FDB];
	s0 =	simm.s32 @p2 $0x1  }
0x17: {  	s4 =	simm.s32 $0x1BF5;
	[smem:$0x3FB2] =	sst s0  }
0x18: {  	s0 =	sld [smem:$0x3F95];
	_ =	swait.ge [sflag:s4], $0x0  }
0x19: {  	s7 =	sld [smem:$0x3F96]  }
0x1a: {  	s8 =	sadd.s32 $0xFFFFE003, lr  }
0x1b: {  	s9 =	sadd.s32 $0xFFFFFEF7, lr;
	s5 =	simm.s32 $0xFFFFFFFF;
	p2 =	slt.u32 s8, $0xFFFFF086  }
0x1c: {  	p1 =	slt.u32 s9, $0xF7A;
	s5 =	simm.s32 @!p2 $0x0  }
0x1d: {  	s5 =	simm.s32 @p1 $0x1;
	p0 =	seq.s32 s7, s2  }
0x1e: {  	s7 =	smul.u32 @!p0 $0xF7A, s2;
	p2 =	seq.s32 @!p0 s5, $0x0  }
0x1f: {  	s9 =	smul.u32 $0xF7A, s1;
	s8 =	simm.s32 @!p0 $0x1BF5;
	p2 =	por !p2, p0  }
0x20: {  	[sflag:s8] =	ssyncset.s32 @!p0 $0xFFFFF086;
	s6 =	sadd.s32 @!p0 s3, s7;
	s7 =	simm.s32 @!p0 $0x108  }
0x21: {  	s3 =	sadd.s32 s3, s9;
	s6 =	sadd.s32 @!p0 $0x88, s6;
	s7 =	simm.s32 @p2 $0x1082  }
0x22: {  	[simem:s7], [sflag:s8] =	dma.local @!p0 [hbm:s6], $0xF7A  }
0x23: {  	s9 =	sor.u32 $0xD0000000, s2;
	s6 =	simm.s32 $0x108;
	_ =	swait.ge @!p0 [sflag:s8], $0x0  }
0x24: {  	s3 =	sadd.s32 $0x88, s3;
	s6 =	simm.s32 @!p1 $0x1082;
	[sflag:s4] =	ssyncset.s32 $0xFFFFF086  }
0x25: {  	[simem:s6], [sflag:s4] =	dma.local [hbm:s3], $0xF7A  }
0x26: {  	[smem:$0x3F96] =	sst s1;
	(tag) =	ssettag s2;
	_ =	strace s9  }
0x27: {  	s1 =	sld [smem:$0x3FA6]  }
0x28: {  	s2 =	sld [smem:$0x3FA7]  }
0x29: {  	s4 =	sld [smem:$0x3FA9]  }
0x2a: {  	p0 =	seq.s32 s5, $0x0;
	s5 =	sld [smem:$0x3FAA]  }
0x2b: {  	s6 =	sld [smem:$0x3FAB]  }
0x2c: {  	s7 =	sld [smem:$0x3FAC]  }
0x2d: {  	s3 =	simm.s32 $0x108;
	s8 =	sld [smem:$0x3FAD]  }
0x2e: {  	s3 =	simm.s32 @!p0 $0x1082;
	s9 =	sld [smem:$0x3FAE]  }
0x2f: {  	lr =	sadd.s32 s0, s3;
	s0 =	sld [smem:$0x3FA5]  }
0x30: {  	s3 =	sld [smem:$0x3FA8]  }
0x31: {  	[smem:$0x3FB1] =	sst s10  }
0x32: {  	s10 =	sld [smem:$0x3FAF];
	_ =	sdelay $0x3  }
0x33: {  	p0 =	seq.s32 s10, $0x1;
	s10 =	sld [smem:$0x3FB1];
	_ =	sdelay $0x3  }
0x34: {  	[smem:$0x3FB1] =	sst s10  }
0x35: {  	s10 =	sld [smem:$0x3FB0];
	_ =	sdelay $0x3  }
0x36: {  	p1 =	seq.s32 s10, $0x1;
	s10 =	sld [smem:$0x3FB1];
	_ =	sdelay $0x3  }
0x37: {  	[smem:$0x3FB1] =	sst s10  }
0x38: {  	s10 =	sld [smem:$0x3FB2]  }
0x39: {  	_ = 	snop;
	(pc) =	sbr.ind lr, $3  }
0x3a: {  	_ = 	snop  }
0x3b: {  	_ = 	snop  }
0x3c: {  	p2 =	seq.s32 s10, $0x1;
	s10 =	sld [smem:$0x3FB1]  }
0x3d: {  	_ =	shalt  }
0x3e: {  	_ =	shalt  }
0x3f: {  	_ =	shalt  }
0x40: {  	_ =	shalt  }
0x41: {  	_ =	shalt  }
0x42: {  	_ =	shalt  }
0x43: {  	_ =	shalt  }
0x44: {  	_ =	shalt  }
0x45: {  	_ =	shalt  }
0x46: {  	_ =	shalt  }
0x47: {  	_ =	shalt  }
0x48: {  	_ =	shalt  }
0x49: {  	_ =	shalt  }
0x4a: {  	_ =	shalt  }
0x4b: {  	_ =	shalt  }
0x4c: {  	_ =	shalt  }
0x4d: {  	_ =	shalt  }
0x4e: {  	_ =	shalt  }
0x4f: {  	_ =	shalt  }
0x50: {  	_ =	shalt  }
0x51: {  	_ =	shalt  }
0x52: {  	_ =	shalt  }
0x53: {  	_ =	shalt  }
0x54: {  	_ =	shalt  }
0x55: {  	_ =	shalt  }
0x56: {  	_ =	shalt  }
0x57: {  	_ =	shalt  }
0x58: {  	_ =	shalt  }
0x59: {  	_ =	shalt  }
0x5a: {  	_ =	shalt  }
0x5b: {  	_ =	shalt  }
0x5c: {  	_ =	shalt  }
0x5d: {  	_ =	shalt  }
0x5e: {  	_ =	shalt  }
0x5f: {  	_ =	shalt  }
0x60: {  	_ =	shalt  }
0x61: {  	_ =	shalt  }
0x62: {  	_ =	shalt  }
0x63: {  	_ =	shalt  }
0x64: {  	_ =	shalt  }
0x65: {  	_ =	shalt  }
0x66: {  	_ =	shalt  }
0x67: {  	_ =	shalt  }
0x68: {  	_ =	shalt  }
0x69: {  	_ =	shalt  }
0x6a: {  	_ =	shalt  }
0x6b: {  	_ =	shalt  }
0x6c: {  	_ =	shalt  }
0x6d: {  	_ =	shalt  }
0x6e: {  	_ =	shalt  }
0x6f: {  	_ =	shalt  }
0x70: {  	_ =	shalt  }
0x71: {  	_ =	shalt  }
0x72: {  	_ =	shalt  }
0x73: {  	_ =	shalt  }
0x74: {  	_ =	shalt  }
0x75: {  	_ =	shalt  }
0x76: {  	_ =	shalt  }
0x77: {  	_ =	shalt  }
0x78: {  	_ =	shalt  }
0x79: {  	_ =	shalt  }
0x7a: {  	_ =	shalt  }
0x7b: {  	_ =	shalt  }
0x7c: {  	_ =	shalt  }
0x7d: {  	_ =	shalt  }
0x7e: {  	_ =	shalt  }
0x7f: {  	_ =	shalt  }
0x80: {  	_ =	shalt  }
0x81: {  	_ =	shalt  }
0x82: {  	_ =	shalt  }
0x83: {  	_ =	shalt  }
0x84: {  	_ =	shalt  }
0x85: {  	_ =	shalt  }
0x86: {  	_ =	shalt  }
0x87: {  	_ =	shalt  }
.Lfunc_end0:
.L_simem_size_0:
called_computation.1_lowered:
.L_overlay_start_0:
0x88: {  	s2 =	sld [smem:$0x3FD9]  }
0x89: {  	s3 =	sld [smem:$0x3FFE];
	_ =	sdelay $0x1  }
0x8a: {  	s1 =	srdreg.scid  }
0x8b: {  	s0 =	sand.u32 $0x1, s1  }
0x8c: {  	s16 =	sshll.u32 s0, $0xA;
	s2 =	sadd.s32 s3, s2  }
0x8d: {  	s2 =	sadd.s32 s2, s16  }
0x8e: {  	[smem:$0x3FBD] =	sst s2  }
0x8f: {  	_ = 	snop  }
0x90: {  	(tm) =	ssettm $0x1  }
0x91: {  	s17 =	sld [smem:$0x3FFB];
	_ =	sdelay $0x3  }
0x92: {  	_ =	strace s17  }
0x93: {  	s2 =	sld [smem:$0x3FFC];
	_ =	sdelay $0x3  }
0x94: {  	_ =	strace s2  }
0x95: {  	s2 =	sld [smem:$0x3FFD];
	_ =	sdelay $0x3  }
0x96: {  	_ =	strace s2  }
0x97: {  	_ =	strace $0x8FFFFFFF  }
0x98: {  	s18 =	sld [smem:$0x3FDB];
	_ =	sdelay $0x1  }
0x99: {  	s19 =	simm.s32 $_scs_section_size  }
0x9a: {  	s4 =	simm.s32 $_size__tile_overlayer_lowered;
	s5 =	simm.s32 $_tile_overlayer_lowered  }
0x9b: {  	s22 =	simm.s32 $0x1BFF;
	s21 =	sshll.u32 s5, $0x1;
	s2 =	sadd.s32 s19, s18  }
0x9c: {  	s6 =	simm.s32 $0x0;
	s20 =	sshll.u32 s4, $0x1;
	s4 =	sadd.s32 s21, s2  }
0x9d: {  	[timem:s6], [sflag:s22] =	dma.local [hbm:s4], s20  }
0x9e: {  	_ =	swait.ge [sflag:s22], s20  }
0x9f: {  	s3 =	ssub.s32 $0x0, s20;
	[sflag:s22] =	ssyncset.done $0x0  }
0xa0: {  	[sflag:s22] =	ssyncadd.s32 s3;
	_ =	sdelay $0x1  }
0xa1: {  	s23 =	simm.s32 $0x1B8B  }
0xa2: {  	_ =	swait.ge [sflag:s23], $0x1  }
0xa3: {  	[sflag:s23] =	ssyncset.done $0x0  }
0xa4: {  	s25 =	simm.s32 $0x1B8E;
	s24 =	sld [smem:$0x3FFE];
	[sflag:s23] =	ssyncadd.s32 $0xFFFFFFFF  }
0xa5: {  	s26 =	simm.s32 $execute0_lowered;
	[smem:$0x3FD2] =	sst s25  }
0xa6: {  	s4 =	sshll.u32 s26, $0x1;
	_ =	strace $0x80000049;
	[dreg:$0x1] =	wrdreg $0xFFFFFFFF  }
0xa7: {  	s28 =	simm.s32 $_size_execute0_lowered;
	s2 =	sadd.s32 s2, s4;
	[dreg:$0x0] =	wrdreg $0x0  }
0xa8: {  	s4 =	sshll.u32 s28, $0x1;
	[dreg:$0x2] =	wrdreg s2  }
0xa9: {  	[dreg:$0x3] =	wrdreg s4  }
0xaa: {  	[dreg:$0x4] =	wrdreg $0xC0  }
0xab: {  	_ =	task [dreg:s6], $0x5FFFF  }
0xac: {  	[dreg:$0x1] =	wrdreg $0xFFFFFFFF  }
0xad: {  	[dreg:$0x0] =	wrdreg $0x60  }
0xae: {  	[dreg:$0x2] =	wrdreg s24  }
0xaf: {  	[dreg:$0x3] =	wrdreg $0x90000  }
0xb0: {  	[dreg:$0x4] =	wrdreg $0x9  }
0xb1: {  	_ =	task.clear_ibuf [dreg:s6], $0x5FFFF;
	_ =	strace $0x90000049  }
0xb2: {  	s29 =	simm.s32 $0x9;
	_ =	strace $0x8000004B  }
0xb3: {  	_ =	swait.ge [sflag:s29], $0x1  }
0xb4: {  	[sflag:s29] =	ssyncadd.s32 $0xFFFFFFFF  }
0xb5: {  	_ =	strace $0x9000004B  }
0xb6: {  	_ =	sfence  }
0xb7: {  	s30 =	sld [smem:$0x0];
	_ =	sdelay $0x2  }
0xb8: {  	s31 =	sshll.u32 s1, $0xD;
	s1 =	sshrl.u32 s1, $0x2  }
0xb9: {  	s3 =	sand.u32 $0x4000, s31;
	s1 =	sadd.s32 s1, s30  }
0xba: {  	s0 =	sor.u32 s3, s0;
	s1 =	sshll.u32 s1, $0x11  }
0xbb: {  	s0 =	sor.u32 s1, s0  }
0xbc: {  	s0 =	sadd.s32 $0x8F2B, s0  }
0xbd: {  	[sflag:s0] =	ssyncadd.remote.s32 $0x1  }
0xbe: {  	_ =	sfence.sel $0xFFFF  }
0xbf: {  	[dreg:$0x0] =	wrdreg $0xFFFFFFFF;
	(pc) =	sbr.abs _section_cstart, $3  }
0xc0: {  	[dreg:$0x1] =	wrdreg $0xFFFFFFFF  }
0xc1: {  	_ =	task.clear_ibuf [dreg:s6], $0x2FFFF;
	_ =	strace $0x9FFFFFFF  }
0xc2: {  	(tm) =	ssettm $0x7FFFFFFF  }
0xc3: {  	_ =	shalt  }
tec
execute0_lowered:
.L_overlay_start_1:
0x0: {  	(tag) =	ssettag $0x1  }
0x1: {  	s5 =	rddreg [dreg:$0x0]  }
0x2: {  	s1 =	rddreg [dreg:$0x1];
	s2 =	srdreg.scid  }
0x3: {  	s0 =	rddreg [dreg:$0x2];
	s3 =	simm.s32 $0x0;
	s14 =	simm.s32 $0x2  }
0x4: {  	s15 =	simm.s32 $0x2800;
	s16 =	simm.s32 $0x5000;
	s17 =	simm.s32 $0x80  }
0x5: {  	s18 =	simm.s32 $0x1;
	s6 =	sand.u32 $0x1, s2;
	s2 =	stileid.u32  }
0x6: {  	s21 =	simm.s32 $0x0;
	[smem:$0x7FF] =	sst s3;
	s7 =	smul.u32 $0x140000, s6  }
0x7: {  	s4 =	sshll.u32 s6, $0x4;
	s9 =	smul.u32 $0x14000, s2;
	_ =	strace $0x8000004A  }
0x8: {  	s6 =	ssub.s32 $0x2, s6;
	s30 =	smul.u32 $0x50000, s2;
	s19 =	sshll.u32 s2, $0x6  }
0x9: {  	s8 =	sor.u32 s2, s4;
	s4 =	sadd.s32 $0x71A00, s5;
	s10 =	sshrl.u32 s6, $0x1  }
0xa: {  	s19 =	sor.u32 $0x1C02, s19;
	s8 =	smul.u32 $0x500, s8;
	s7 =	sadd.s32 s9, s7  }
0xb: {  	s13 =	ssub.s32 s6, s10;
	s31 =	sshrl.u32 s30, $0x2;
	s7 =	sshrl.u32 s7, $0x3  }
0xc: {  	s13 =	smax.u32 s13, $0x1;
	s8 =	sadd.s32 s8, s5;
	s12 =	sadd.s32 s7, s5  }
0xd: {  	s7 =	sadd.s32 s31, s1;
	s5 =	sadd.s32 $0x5DA00, s8;
	s6 =	sadd.s32 $0x67A00, s8  }
0xe: {  	s8 =	sadd.s32 $0x4000, s7;
	s9 =	sadd.s32 $0x8000, s7;
	s10 =	sadd.s32 $0xC000, s7  }
0xf: {  	v0 =	vimm.f32 $0.0e+00;
	s11 =	sadd.s32 $0x10000, s7;
	s12 =	sadd.s32 $0x99A00, s12;
	s20 =	sshrl.u32 s7, $0x3  }
.LBB2_1:
0x10: {  	[tilespmem:s3], [sflag:$0x2] =	stream.linear.gather [hbm4b:s5+s3], $0x2800, $0x38;
	[tilespmem:$0x1D000] =	vst v63  }
0x11: {  	_ =	swait.ge [sflag:s14], $0x2800  }
0x12: {  	[sflag:s14] =	ssyncset.done $0x0  }
0x13: {  	[sflag:s14] =	ssyncadd.s32 $0xFFFFD800  }
0x14: {  	[tilespmem:s15], [sflag:$0x2] =	stream.linear.gather [hbm4b:s6+s3], $0x2800, $0x38;
	[tilespmem:$0x1D000] =	vst v63  }
0x15: {  	_ =	swait.ge [sflag:s14], $0x2800  }
0x16: {  	[sflag:s14] =	ssyncset.done $0x0  }
0x17: {  	s22 =	simm.s32 $0x0;
	s23 =	simm.s32 $0x200;
	[sflag:s14] =	ssyncadd.s32 $0xFFFFD800  }
.LBB2_2:
0x18: {  	p0 =	sne.s32 s23, $0xFE00;
	[tilespmem:s22+$0x5070] =	vst v0  }
0x19: {  	[tilespmem:s22+$0x5000] =	vst v0  }
0x1a: {  	[tilespmem:s22+$0x5010] =	vst v0  }
.Ltmp0:
0x1b: {  	[tilespmem:s22+$0x5020] =	vst v0;
	(pc) =	sbr.rel @p0 .LBB2_2-.Ltmp0, $4  }
0x1c: {  	[tilespmem:s22+$0x5030] =	vst v0  }
0x1d: {  	[tilespmem:s22+$0x5040] =	vst v0  }
0x1e: {  	[tilespmem:s22+$0x5050] =	vst v0  }
0x1f: {  	[tilespmem:s22+$0x5060] =	vst v0;
	s22 =	sshra.s32 s23, $0x2;
	s23 =	sadd.s32 $0x200, s23  }
0x20: {  	[tilespmem:s22+$0x5070] =	vst v0  }
0x21: {  	[tilespmem:s22+$0x5000] =	vst v0  }
0x22: {  	[tilespmem:s22+$0x5010] =	vst v0  }
0x23: {  	[tilespmem:s22+$0x5020] =	vst v0  }
0x24: {  	[tilespmem:s22+$0x5030] =	vst v0  }
0x25: {  	[tilespmem:s22+$0x5040] =	vst v0  }
0x26: {  	[tilespmem:s22+$0x5050] =	vst v0  }
0x27: {  	[tilespmem:s22+$0x5060] =	vst v0  }
0x28: {  	[spmem:s7] =	stream.linear.scatter [tilespmem:s16], [sflag:$0x2], $0x4000, $0x38;
	[tilespmem:$0x1D000] =	vst v63  }
0x29: {  	_ =	swait.ge [sflag:s14], $0x4000  }
0x2a: {  	[sflag:s14] =	ssyncset.done $0x0  }
0x2b: {  	[sflag:s14] =	ssyncadd.s32 $0xFFFFC000  }
0x2c: {  	[spmem:s8] =	stream.linear.scatter [tilespmem:s16], [sflag:$0x2], $0x4000, $0x38;
	[tilespmem:$0x1D000] =	vst v63  }
0x2d: {  	_ =	swait.ge [sflag:s14], $0x4000  }
0x2e: {  	[sflag:s14] =	ssyncset.done $0x0  }
0x2f: {  	[sflag:s14] =	ssyncadd.s32 $0xFFFFC000  }
0x30: {  	[spmem:s9] =	stream.linear.scatter [tilespmem:s16], [sflag:$0x2], $0x4000, $0x38;
	[tilespmem:$0x1D000] =	vst v63  }
0x31: {  	_ =	swait.ge [sflag:s14], $0x4000  }
0x32: {  	[sflag:s14] =	ssyncset.done $0x0  }
0x33: {  	[sflag:s14] =	ssyncadd.s32 $0xFFFFC000  }
0x34: {  	[spmem:s10] =	stream.linear.scatter [tilespmem:s16], [sflag:$0x2], $0x4000, $0x38;
	[tilespmem:$0x1D000] =	vst v63  }
0x35: {  	_ =	swait.ge [sflag:s14], $0x4000  }
0x36: {  	[sflag:s14] =	ssyncset.done $0x0  }
0x37: {  	[sflag:s14] =	ssyncadd.s32 $0xFFFFC000  }
0x38: {  	[spmem:s11] =	stream.linear.scatter [tilespmem:s16], [sflag:$0x2], $0x4000, $0x38;
	[tilespmem:$0x1D000] =	vst v63  }
0x39: {  	_ =	swait.ge [sflag:s14], $0x4000  }
0x3a: {  	[sflag:s14] =	ssyncset.done $0x0  }
0x3b: {  	[sflag:s14] =	ssyncadd.s32 $0xFFFFC000  }
0x3c: {  	s30 =	simm.s32 $0x0;
	[bflag:$0x0] =	sbarrier.arrive $0xFFFF  }
0x3d: {  	[tilespmem:s16], [sflag:$0x1] =	stream.indirect.gather [hbm4b:s4+s17], $0x80, s30, s17, $0xb8;
	[tilespmem:$0x1D000] =	vst v63  }
0x3e: {  	_ =	swait.ge [sflag:s18], $0x4000  }
0x3f: {  	[sflag:s18] =	ssyncset.done $0x0  }
0x40: {  	s31 =	simm.s32 $0x2800;
	[sflag:s18] =	ssyncadd.s32 $0xFFFFC000  }
0x41: {  	[spmem:s1] =	stream.indirect.scatter.add.f32 [tilespmem:s16], [sflag:$0x2], $0x80, s31, s17, $0xb8;
	[tilespmem:$0x1D000] =	vst v63  }
0x42: {  	_ =	swait.ge [sflag:s14], $0x4000  }
0x43: {  	s22 =	simm.s32 $0x200;
	s23 =	simm.s32 $0x400;
	[sflag:s14] =	ssyncset.done $0x0  }
.LBB2_4:
0x44: {  	s24 =	sshra.s32 s22, $0x2  }
0x45: {  	[sflag:s14] =	ssyncadd.s32 $0xFFFFC000;
	s22 =	smov.u32 s23;
	s25 =	sadd.s32 $0x200, s23  }
0x46: {  	[tilespmem:s16], [sflag:$0x1] =	stream.indirect.gather [hbm4b:s4+s17], $0x80, s24, s17, $0xb8;
	[tilespmem:$0x1D000] =	vst v63  }
0x47: {  	p0 =	sne.s32 s23, $0x9E00;
	_ =	swait.ge [sflag:s18], $0x4000  }
.Ltmp1:
0x48: {  	[sflag:s18] =	ssyncset.done $0x0;
	(pc) =	sbr.rel @p0 .LBB2_4-.Ltmp1, $4  }
0x49: {  	s23 =	sadd.s32 $0x2800, s24;
	[sflag:s18] =	ssyncadd.s32 $0xFFFFC000  }
0x4a: {  	[spmem:s1] =	stream.indirect.scatter.add.f32 [tilespmem:s16], [sflag:$0x2], $0x80, s23, s17, $0xb8;
	[tilespmem:$0x1D000] =	vst v63  }
0x4b: {  	_ =	swait.ge [sflag:s14], $0x4000  }
0x4c: {  	s23 =	smov.u32 s25;
	[sflag:s14] =	ssyncset.done $0x0  }
0x4d: {  	s22 =	sshra.s32 s22, $0x2;
	[sflag:s14] =	ssyncadd.s32 $0xFFFFC000  }
0x4e: {  	[tilespmem:s16], [sflag:$0x1] =	stream.indirect.gather [hbm4b:s4+s17], $0x80, s22, s17, $0xb8;
	[tilespmem:$0x1D000] =	vst v63  }
0x4f: {  	_ =	swait.ge [sflag:s18], $0x4000  }
0x50: {  	[sflag:s18] =	ssyncset.done $0x0  }
0x51: {  	s22 =	sadd.s32 $0x2800, s22;
	[sflag:s18] =	ssyncadd.s32 $0xFFFFC000  }
0x52: {  	[spmem:s1] =	stream.indirect.scatter.add.f32 [tilespmem:s16], [sflag:$0x2], $0x80, s22, s17, $0xb8;
	[tilespmem:$0x1D000] =	vst v63  }
0x53: {  	_ =	swait.ge [sflag:s14], $0x4000  }
0x54: {  	s21 =	sadd.s32 $0x1, s21;
	[sflag:s14] =	ssyncset.done $0x0  }
0x55: {  	p0 =	sne.s32 s21, s13;
	[sflag:s14] =	ssyncadd.s32 $0xFFFFC000  }
.Ltmp2:
0x56: {  	[bflag:$0x0] =	sbarrier.arrive $0xFFFF;
	(pc) =	sbr.rel @p0 .LBB2_1-.Ltmp2, $4  }
0x57: {  	[hbm:s12], [sflag:s19] =	dma.local [spmem:s20], $0x2800  }
0x58: {  	_ =	swait.ge [sflag:s14], $0x2800  }
0x59: {  	[sflag:s14] =	ssyncset.done $0x0  }
0x5a: {  	[sflag:s14] =	ssyncadd.s32 $0xFFFFD800  }
0x5b: {  	_ =	sfence.sel $0x180000  }
0x5c: {  	[bflag:$0x0] =	sbarrier.arrive $0xFFFF  }
0x5d: {  	p0 =	sne.s32 s2, $0x0;
	_ =	strace $0x9000004A  }
0x5e: {  	s0 =	sadd.s32 @!p0 $0x100000, s0;
	[bflag:$0x2] =	sbarrier.arrive $0xFFFF  }
0x5f: {  	[sflag:s0] =	ssyncadd.tile.s32 @!p0 $0x1;
	_ =	shalt  }
.Lfunc_end2:
_tile_overlayer_lowered:
.L_overlay_start_2:
0x60: {  	(tag) =	ssettag $0x2  }
0x61: {  	s0 =	rddreg [dreg:$0x0];
	s2 =	stileid.u32  }
0x62: {  	s1 =	rddreg [dreg:$0x1];
	p0 =	sne.s32 s2, $0x0  }
0x63: {  	s3 =	rddreg [dreg:$0x2];
	[bflag:$0x3] =	sbarrier.arrive $0xFFFF;
	s2 =	simm.s32 @!p0 $0x1C02  }
0x64: {  	[timem:s3], [sflag:s2] =	dma.local @!p0 [hbm:s0], s1  }
0x65: {  	s0 =	simm.s32 @!p0 $0x2  }
0x66: {  	_ =	swait.ge @!p0 [sflag:s0], s1  }
0x67: {  	s1 =	ssub.s32 @!p0 $0x0, s1;
	[sflag:s0] =	ssyncset.done @!p0 $0x0  }
0x68: {  	[sflag:s0] =	ssyncadd.s32 @!p0 s1  }
0x69: {  	[bflag:$0x3] =	sbarrier.arrive $0xFFFF  }
0x6a: {  	_ =	shalt  }

// kernel: kernel.14.cloned.1.call-start
scs
__scs_entry_jumppad:
0x0: {  	(pc) =	sbr.rel $0x88, $3  }
0x1: {  	(tag) =	ssettag $0x0;
	lr =	simm.s32 $0x1  }
0x2: {  	[smem:$0x3F96] =	sst lr;
	_ =	strace $0xD0000000  }
0x3: {  	_ = 	snop  }
0x4: {  	_ = 	snop  }
0x5: {  	_ = 	snop  }
0x6: {  	_ = 	snop  }
0x7: {  	_ = 	snop  }
__scs_overlays_trampoline_lowered:
0x8: {  	[smem:$0x3FA5] =	sst s0  }
0x9: {  	[smem:$0x3FA6] =	sst s1  }
0xa: {  	[smem:$0x3FA7] =	sst s2  }
0xb: {  	[smem:$0x3FA8] =	sst s3  }
0xc: {  	[smem:$0x3FA9] =	sst s4  }
0xd: {  	[smem:$0x3FAA] =	sst s5  }
0xe: {  	[smem:$0x3FAB] =	sst s6  }
0xf: {  	[smem:$0x3FAC] =	sst s7  }
0x10: {  	[smem:$0x3FAD] =	sst s8  }
0x11: {  	[smem:$0x3FAE] =	sst s9;
	s0 =	simm.s32 @!p0 $0x0  }
0x12: {  	s1 =	sld [smem:$0x3F94];
	s0 =	simm.s32 @p0 $0x1  }
0x13: {  	[smem:$0x3FAF] =	sst s0;
	s0 =	simm.s32 @!p1 $0x0  }
0x14: {  	s2 =	sld [smem:$0x3F93];
	s0 =	simm.s32 @p1 $0x1  }
0x15: {  	[smem:$0x3FB0] =	sst s0;
	s0 =	simm.s32 @!p2 $0x0  }
0x16: {  	s3 =	sld [smem:$0x3FDB];
	s0 =	simm.s32 @p2 $0x1  }
0x17: {  	s4 =	simm.s32 $0x1BF5;
	[smem:$0x3FB2] =	sst s0  }
0x18: {  	s0 =	sld [smem:$0x3F95];
	_ =	swait.ge [sflag:s4], $0x0  }
0x19: {  	s7 =	sld [smem:$0x3F96]  }
0x1a: {  	s8 =	sadd.s32 $0xFFFFE003, lr  }
0x1b: {  	s9 =	sadd.s32 $0xFFFFFEF7, lr;
	s5 =	simm.s32 $0xFFFFFFFF;
	p2 =	slt.u32 s8, $0xFFFFF086  }
0x1c: {  	p1 =	slt.u32 s9, $0xF7A;
	s5 =	simm.s32 @!p2 $0x0  }
0x1d: {  	s5 =	simm.s32 @p1 $0x1;
	p0 =	seq.s32 s7, s2  }
0x1e: {  	s7 =	smul.u32 @!p0 $0xF7A, s2;
	p2 =	seq.s32 @!p0 s5, $0x0  }
0x1f: {  	s9 =	smul.u32 $0xF7A, s1;
	s8 =	simm.s32 @!p0 $0x1BF5;
	p2 =	por !p2, p0  }
0x20: {  	[sflag:s8] =	ssyncset.s32 @!p0 $0xFFFFF086;
	s6 =	sadd.s32 @!p0 s3, s7;
	s7 =	simm.s32 @!p0 $0x108  }
0x21: {  	s3 =	sadd.s32 s3, s9;
	s6 =	sadd.s32 @!p0 $0x88, s6;
	s7 =	simm.s32 @p2 $0x1082  }
0x22: {  	[simem:s7], [sflag:s8] =	dma.local @!p0 [hbm:s6], $0xF7A  }
0x23: {  	s9 =	sor.u32 $0xD0000000, s2;
	s6 =	simm.s32 $0x108;
	_ =	swait.ge @!p0 [sflag:s8], $0x0  }
0x24: {  	s3 =	sadd.s32 $0x88, s3;
	s6 =	simm.s32 @!p1 $0x1082;
	[sflag:s4] =	ssyncset.s32 $0xFFFFF086  }
0x25: {  	[simem:s6], [sflag:s4] =	dma.local [hbm:s3], $0xF7A  }
0x26: {  	[smem:$0x3F96] =	sst s1;
	(tag) =	ssettag s2;
	_ =	strace s9  }
0x27: {  	s1 =	sld [smem:$0x3FA6]  }
0x28: {  	s2 =	sld [smem:$0x3FA7]  }
0x29: {  	s4 =	sld [smem:$0x3FA9]  }
0x2a: {  	p0 =	seq.s32 s5, $0x0;
	s5 =	sld [smem:$0x3FAA]  }
0x2b: {  	s6 =	sld [smem:$0x3FAB]  }
0x2c: {  	s7 =	sld [smem:$0x3FAC]  }
0x2d: {  	s3 =	simm.s32 $0x108;
	s8 =	sld [smem:$0x3FAD]  }
0x2e: {  	s3 =	simm.s32 @!p0 $0x1082;
	s9 =	sld [smem:$0x3FAE]  }
0x2f: {  	lr =	sadd.s32 s0, s3;
	s0 =	sld [smem:$0x3FA5]  }
0x30: {  	s3 =	sld [smem:$0x3FA8]  }
0x31: {  	[smem:$0x3FB1] =	sst s10  }
0x32: {  	s10 =	sld [smem:$0x3FAF];
	_ =	sdelay $0x3  }
0x33: {  	p0 =	seq.s32 s10, $0x1;
	s10 =	sld [smem:$0x3FB1];
	_ =	sdelay $0x3  }
0x34: {  	[smem:$0x3FB1] =	sst s10  }
0x35: {  	s10 =	sld [smem:$0x3FB0];
	_ =	sdelay $0x3  }
0x36: {  	p1 =	seq.s32 s10, $0x1;
	s10 =	sld [smem:$0x3FB1];
	_ =	sdelay $0x3  }
0x37: {  	[smem:$0x3FB1] =	sst s10  }
0x38: {  	s10 =	sld [smem:$0x3FB2]  }
0x39: {  	_ = 	snop;
	(pc) =	sbr.ind lr, $3  }
0x3a: {  	_ = 	snop  }
0x3b: {  	_ = 	snop  }
0x3c: {  	p2 =	seq.s32 s10, $0x1;
	s10 =	sld [smem:$0x3FB1]  }
0x3d: {  	_ =	shalt  }
0x3e: {  	_ =	shalt  }
0x3f: {  	_ =	shalt  }
0x40: {  	_ =	shalt  }
0x41: {  	_ =	shalt  }
0x42: {  	_ =	shalt  }
0x43: {  	_ =	shalt  }
0x44: {  	_ =	shalt  }
0x45: {  	_ =	shalt  }
0x46: {  	_ =	shalt  }
0x47: {  	_ =	shalt  }
0x48: {  	_ =	shalt  }
0x49: {  	_ =	shalt  }
0x4a: {  	_ =	shalt  }
0x4b: {  	_ =	shalt  }
0x4c: {  	_ =	shalt  }
0x4d: {  	_ =	shalt  }
0x4e: {  	_ =	shalt  }
0x4f: {  	_ =	shalt  }
0x50: {  	_ =	shalt  }
0x51: {  	_ =	shalt  }
0x52: {  	_ =	shalt  }
0x53: {  	_ =	shalt  }
0x54: {  	_ =	shalt  }
0x55: {  	_ =	shalt  }
0x56: {  	_ =	shalt  }
0x57: {  	_ =	shalt  }
0x58: {  	_ =	shalt  }
0x59: {  	_ =	shalt  }
0x5a: {  	_ =	shalt  }
0x5b: {  	_ =	shalt  }
0x5c: {  	_ =	shalt  }
0x5d: {  	_ =	shalt  }
0x5e: {  	_ =	shalt  }
0x5f: {  	_ =	shalt  }
0x60: {  	_ =	shalt  }
0x61: {  	_ =	shalt  }
0x62: {  	_ =	shalt  }
0x63: {  	_ =	shalt  }
0x64: {  	_ =	shalt  }
0x65: {  	_ =	shalt  }
0x66: {  	_ =	shalt  }
0x67: {  	_ =	shalt  }
0x68: {  	_ =	shalt  }
0x69: {  	_ =	shalt  }
0x6a: {  	_ =	shalt  }
0x6b: {  	_ =	shalt  }
0x6c: {  	_ =	shalt  }
0x6d: {  	_ =	shalt  }
0x6e: {  	_ =	shalt  }
0x6f: {  	_ =	shalt  }
0x70: {  	_ =	shalt  }
0x71: {  	_ =	shalt  }
0x72: {  	_ =	shalt  }
0x73: {  	_ =	shalt  }
0x74: {  	_ =	shalt  }
0x75: {  	_ =	shalt  }
0x76: {  	_ =	shalt  }
0x77: {  	_ =	shalt  }
0x78: {  	_ =	shalt  }
0x79: {  	_ =	shalt  }
0x7a: {  	_ =	shalt  }
0x7b: {  	_ =	shalt  }
0x7c: {  	_ =	shalt  }
0x7d: {  	_ =	shalt  }
0x7e: {  	_ =	shalt  }
0x7f: {  	_ =	shalt  }
0x80: {  	_ =	shalt  }
0x81: {  	_ =	shalt  }
0x82: {  	_ =	shalt  }
0x83: {  	_ =	shalt  }
0x84: {  	_ =	shalt  }
0x85: {  	_ =	shalt  }
0x86: {  	_ =	shalt  }
0x87: {  	_ =	shalt  }
.Lfunc_end0:
.L_simem_size_0:
called_computation.2_lowered:
.L_overlay_start_0:
0x88: {  	s2 =	sld [smem:$0x3FD9]  }
0x89: {  	s3 =	sld [smem:$0x3FFE];
	_ =	sdelay $0x1  }
0x8a: {  	s1 =	srdreg.scid  }
0x8b: {  	s0 =	sand.u32 $0x1, s1  }
0x8c: {  	s16 =	sshll.u32 s0, $0xA;
	s2 =	sadd.s32 s3, s2  }
0x8d: {  	s2 =	sadd.s32 s2, s16  }
0x8e: {  	[smem:$0x3FBD] =	sst s2  }
0x8f: {  	_ = 	snop  }
0x90: {  	(tm) =	ssettm $0x1  }
0x91: {  	s17 =	sld [smem:$0x3FFB];
	_ =	sdelay $0x3  }
0x92: {  	_ =	strace s17  }
0x93: {  	s2 =	sld [smem:$0x3FFC];
	_ =	sdelay $0x3  }
0x94: {  	_ =	strace s2  }
0x95: {  	s2 =	sld [smem:$0x3FFD];
	_ =	sdelay $0x3  }
0x96: {  	_ =	strace s2  }
0x97: {  	_ =	strace $0x8FFFFFFF  }
0x98: {  	s18 =	sld [smem:$0x3FDB];
	_ =	sdelay $0x1  }
0x99: {  	s19 =	simm.s32 $_scs_section_size  }
0x9a: {  	s4 =	simm.s32 $_size__tile_overlayer_lowered;
	s5 =	simm.s32 $_tile_overlayer_lowered  }
0x9b: {  	s22 =	simm.s32 $0x1BFF;
	s21 =	sshll.u32 s5, $0x1;
	s2 =	sadd.s32 s19, s18  }
0x9c: {  	s6 =	simm.s32 $0x0;
	s20 =	sshll.u32 s4, $0x1;
	s4 =	sadd.s32 s21, s2  }
0x9d: {  	[timem:s6], [sflag:s22] =	dma.local [hbm:s4], s20  }
0x9e: {  	_ =	swait.ge [sflag:s22], s20  }
0x9f: {  	s3 =	ssub.s32 $0x0, s20;
	[sflag:s22] =	ssyncset.done $0x0  }
0xa0: {  	[sflag:s22] =	ssyncadd.s32 s3;
	_ =	sdelay $0x1  }
0xa1: {  	s23 =	simm.s32 $0x1B8B  }
0xa2: {  	_ =	swait.ge [sflag:s23], $0x1  }
0xa3: {  	[sflag:s23] =	ssyncset.done $0x0  }
0xa4: {  	s25 =	simm.s32 $0x1B8E;
	s24 =	sld [smem:$0x3FFE];
	[sflag:s23] =	ssyncadd.s32 $0xFFFFFFFF  }
0xa5: {  	s26 =	simm.s32 $execute0_lowered;
	[smem:$0x3FD2] =	sst s25  }
0xa6: {  	s4 =	sshll.u32 s26, $0x1;
	_ =	strace $0x8000004C;
	[dreg:$0x1] =	wrdreg $0xFFFFFFFF  }
0xa7: {  	s28 =	simm.s32 $_size_execute0_lowered;
	s2 =	sadd.s32 s2, s4;
	[dreg:$0x0] =	wrdreg $0x0  }
0xa8: {  	s4 =	sshll.u32 s28, $0x1;
	[dreg:$0x2] =	wrdreg s2  }
0xa9: {  	[dreg:$0x3] =	wrdreg s4  }
0xaa: {  	[dreg:$0x4] =	wrdreg $0xC0  }
0xab: {  	_ =	task [dreg:s6], $0x5FFFF  }
0xac: {  	[dreg:$0x1] =	wrdreg $0xFFFFFFFF  }
0xad: {  	[dreg:$0x0] =	wrdreg $0x60  }
0xae: {  	[dreg:$0x2] =	wrdreg s24  }
0xaf: {  	[dreg:$0x3] =	wrdreg $0x90000  }
0xb0: {  	[dreg:$0x4] =	wrdreg $0x9  }
0xb1: {  	_ =	task.clear_ibuf [dreg:s6], $0x5FFFF;
	_ =	strace $0x9000004C  }
0xb2: {  	s29 =	simm.s32 $0x9;
	_ =	strace $0x8000004E  }
0xb3: {  	_ =	swait.ge [sflag:s29], $0x1  }
0xb4: {  	[sflag:s29] =	ssyncadd.s32 $0xFFFFFFFF  }
0xb5: {  	_ =	strace $0x9000004E  }
0xb6: {  	_ =	sfence  }
0xb7: {  	s30 =	sld [smem:$0x0];
	_ =	sdelay $0x2  }
0xb8: {  	s31 =	sshll.u32 s1, $0xD;
	s1 =	sshrl.u32 s1, $0x2  }
0xb9: {  	s3 =	sand.u32 $0x4000, s31;
	s1 =	sadd.s32 s1, s30  }
0xba: {  	s0 =	sor.u32 s3, s0;
	s1 =	sshll.u32 s1, $0x11  }
0xbb: {  	s0 =	sor.u32 s1, s0  }
0xbc: {  	s0 =	sadd.s32 $0x8F2B, s0  }
0xbd: {  	[sflag:s0] =	ssyncadd.remote.s32 $0x1  }
0xbe: {  	_ =	sfence.sel $0xFFFF  }
0xbf: {  	[dreg:$0x0] =	wrdreg $0xFFFFFFFF;
	(pc) =	sbr.abs _section_cstart, $3  }
0xc0: {  	[dreg:$0x1] =	wrdreg $0xFFFFFFFF  }
0xc1: {  	_ =	task.clear_ibuf [dreg:s6], $0x2FFFF;
	_ =	strace $0x9FFFFFFF  }
0xc2: {  	(tm) =	ssettm $0x7FFFFFFF  }
0xc3: {  	_ =	shalt  }
tec
execute0_lowered:
.L_overlay_start_1:
0x0: {  	(tag) =	ssettag $0x1  }
0x1: {  	s5 =	rddreg [dreg:$0x0]  }
0x2: {  	s1 =	rddreg [dreg:$0x1];
	s2 =	srdreg.scid  }
0x3: {  	s0 =	rddreg [dreg:$0x2];
	s3 =	simm.s32 $0x0;
	s14 =	simm.s32 $0x2  }
0x4: {  	s15 =	simm.s32 $0x2800;
	s16 =	simm.s32 $0x5000;
	s17 =	simm.s32 $0x80  }
0x5: {  	s18 =	simm.s32 $0x1;
	s6 =	sand.u32 $0x1, s2;
	s2 =	stileid.u32  }
0x6: {  	s21 =	simm.s32 $0x0;
	[smem:$0x7FF] =	sst s3;
	s7 =	smul.u32 $0x140000, s6  }
0x7: {  	s4 =	sshll.u32 s6, $0x4;
	s9 =	smul.u32 $0x14000, s2;
	_ =	strace $0x8000004D  }
0x8: {  	s6 =	ssub.s32 $0x2, s6;
	s30 =	smul.u32 $0x50000, s2;
	s19 =	sshll.u32 s2, $0x6  }
0x9: {  	s8 =	sor.u32 s2, s4;
	s4 =	sadd.s32 $0x71A00, s5;
	s10 =	sshrl.u32 s6, $0x1  }
0xa: {  	s19 =	sor.u32 $0x1C02, s19;
	s8 =	smul.u32 $0x500, s8;
	s7 =	sadd.s32 s9, s7  }
0xb: {  	s13 =	ssub.s32 s6, s10;
	s31 =	sshrl.u32 s30, $0x2;
	s7 =	sshrl.u32 s7, $0x3  }
0xc: {  	s13 =	smax.u32 s13, $0x1;
	s8 =	sadd.s32 s8, s5;
	s12 =	sadd.s32 s7, s5  }
0xd: {  	s7 =	sadd.s32 s31, s1;
	s5 =	sadd.s32 $0x5DA00, s8;
	s6 =	sadd.s32 $0x67A00, s8  }
0xe: {  	s8 =	sadd.s32 $0x4000, s7;
	s9 =	sadd.s32 $0x8000, s7;
	s10 =	sadd.s32 $0xC000, s7  }
0xf: {  	v0 =	vimm.f32 $0.0e+00;
	s11 =	sadd.s32 $0x10000, s7;
	s12 =	sadd.s32 $0x99A00, s12;
	s20 =	sshrl.u32 s7, $0x3  }
.LBB2_1:
0x10: {  	[tilespmem:s3], [sflag:$0x2] =	stream.linear.gather [hbm4b:s5+s3], $0x2800, $0x38;
	[tilespmem:$0x1D000] =	vst v63  }
0x11: {  	_ =	swait.ge [sflag:s14], $0x2800  }
0x12: {  	[sflag:s14] =	ssyncset.done $0x0  }
0x13: {  	[sflag:s14] =	ssyncadd.s32 $0xFFFFD800  }
0x14: {  	[tilespmem:s15], [sflag:$0x2] =	stream.linear.gather [hbm4b:s6+s3], $0x2800, $0x38;
	[tilespmem:$0x1D000] =	vst v63  }
0x15: {  	_ =	swait.ge [sflag:s14], $0x2800  }
0x16: {  	[sflag:s14] =	ssyncset.done $0x0  }
0x17: {  	s22 =	simm.s32 $0x0;
	s23 =	simm.s32 $0x200;
	[sflag:s14] =	ssyncadd.s32 $0xFFFFD800  }
.LBB2_2:
0x18: {  	p0 =	sne.s32 s23, $0xFE00;
	[tilespmem:s22+$0x5070] =	vst v0  }
0x19: {  	[tilespmem:s22+$0x5000] =	vst v0  }
0x1a: {  	[tilespmem:s22+$0x5010] =	vst v0  }
.Ltmp0:
0x1b: {  	[tilespmem:s22+$0x5020] =	vst v0;
	(pc) =	sbr.rel @p0 .LBB2_2-.Ltmp0, $4  }
0x1c: {  	[tilespmem:s22+$0x5030] =	vst v0  }
0x1d: {  	[tilespmem:s22+$0x5040] =	vst v0  }
0x1e: {  	[tilespmem:s22+$0x5050] =	vst v0  }
0x1f: {  	[tilespmem:s22+$0x5060] =	vst v0;
	s22 =	sshra.s32 s23, $0x2;
	s23 =	sadd.s32 $0x200, s23  }
0x20: {  	[tilespmem:s22+$0x5070] =	vst v0  }
0x21: {  	[tilespmem:s22+$0x5000] =	vst v0  }
0x22: {  	[tilespmem:s22+$0x5010] =	vst v0  }
0x23: {  	[tilespmem:s22+$0x5020] =	vst v0  }
0x24: {  	[tilespmem:s22+$0x5030] =	vst v0  }
0x25: {  	[tilespmem:s22+$0x5040] =	vst v0  }
0x26: {  	[tilespmem:s22+$0x5050] =	vst v0  }
0x27: {  	[tilespmem:s22+$0x5060] =	vst v0  }
0x28: {  	[spmem:s7] =	stream.linear.scatter [tilespmem:s16], [sflag:$0x2], $0x4000, $0x38;
	[tilespmem:$0x1D000] =	vst v63  }
0x29: {  	_ =	swait.ge [sflag:s14], $0x4000  }
0x2a: {  	[sflag:s14] =	ssyncset.done $0x0  }
0x2b: {  	[sflag:s14] =	ssyncadd.s32 $0xFFFFC000  }
0x2c: {  	[spmem:s8] =	stream.linear.scatter [tilespmem:s16], [sflag:$0x2], $0x4000, $0x38;
	[tilespmem:$0x1D000] =	vst v63  }
0x2d: {  	_ =	swait.ge [sflag:s14], $0x4000  }
0x2e: {  	[sflag:s14] =	ssyncset.done $0x0  }
0x2f: {  	[sflag:s14] =	ssyncadd.s32 $0xFFFFC000  }
0x30: {  	[spmem:s9] =	stream.linear.scatter [tilespmem:s16], [sflag:$0x2], $0x4000, $0x38;
	[tilespmem:$0x1D000] =	vst v63  }
0x31: {  	_ =	swait.ge [sflag:s14], $0x4000  }
0x32: {  	[sflag:s14] =	ssyncset.done $0x0  }
0x33: {  	[sflag:s14] =	ssyncadd.s32 $0xFFFFC000  }
0x34: {  	[spmem:s10] =	stream.linear.scatter [tilespmem:s16], [sflag:$0x2], $0x4000, $0x38;
	[tilespmem:$0x1D000] =	vst v63  }
0x35: {  	_ =	swait.ge [sflag:s14], $0x4000  }
0x36: {  	[sflag:s14] =	ssyncset.done $0x0  }
0x37: {  	[sflag:s14] =	ssyncadd.s32 $0xFFFFC000  }
0x38: {  	[spmem:s11] =	stream.linear.scatter [tilespmem:s16], [sflag:$0x2], $0x4000, $0x38;
	[tilespmem:$0x1D000] =	vst v63  }
0x39: {  	_ =	swait.ge [sflag:s14], $0x4000  }
0x3a: {  	[sflag:s14] =	ssyncset.done $0x0  }
0x3b: {  	[sflag:s14] =	ssyncadd.s32 $0xFFFFC000  }
0x3c: {  	s30 =	simm.s32 $0x0;
	[bflag:$0x0] =	sbarrier.arrive $0xFFFF  }
0x3d: {  	[tilespmem:s16], [sflag:$0x1] =	stream.indirect.gather [hbm4b:s4+s17], $0x80, s30, s17, $0xb8;
	[tilespmem:$0x1D000] =	vst v63  }
0x3e: {  	_ =	swait.ge [sflag:s18], $0x4000  }
0x3f: {  	[sflag:s18] =	ssyncset.done $0x0  }
0x40: {  	s31 =	simm.s32 $0x2800;
	[sflag:s18] =	ssyncadd.s32 $0xFFFFC000  }
0x41: {  	[spmem:s1] =	stream.indirect.scatter.add.f32 [tilespmem:s16], [sflag:$0x2], $0x80, s31, s17, $0xb8;
	[tilespmem:$0x1D000] =	vst v63  }
0x42: {  	_ =	swait.ge [sflag:s14], $0x4000  }
0x43: {  	s22 =	simm.s32 $0x200;
	s23 =	simm.s32 $0x400;
	[sflag:s14] =	ssyncset.done $0x0  }
.LBB2_4:
0x44: {  	s24 =	sshra.s32 s22, $0x2  }
0x45: {  	[sflag:s14] =	ssyncadd.s32 $0xFFFFC000;
	s22 =	smov.u32 s23;
	s25 =	sadd.s32 $0x200, s23  }
0x46: {  	[tilespmem:s16], [sflag:$0x1] =	stream.indirect.gather [hbm4b:s4+s17], $0x80, s24, s17, $0xb8;
	[tilespmem:$0x1D000] =	vst v63  }
0x47: {  	p0 =	sne.s32 s23, $0x9E00;
	_ =	swait.ge [sflag:s18], $0x4000  }
.Ltmp1:
0x48: {  	[sflag:s18] =	ssyncset.done $0x0;
	(pc) =	sbr.rel @p0 .LBB2_4-.Ltmp1, $4  }
0x49: {  	s23 =	sadd.s32 $0x2800, s24;
	[sflag:s18] =	ssyncadd.s32 $0xFFFFC000  }
0x4a: {  	[spmem:s1] =	stream.indirect.scatter.add.f32 [tilespmem:s16], [sflag:$0x2], $0x80, s23, s17, $0xb8;
	[tilespmem:$0x1D000] =	vst v63  }
0x4b: {  	_ =	swait.ge [sflag:s14], $0x4000  }
0x4c: {  	s23 =	smov.u32 s25;
	[sflag:s14] =	ssyncset.done $0x0  }
0x4d: {  	s22 =	sshra.s32 s22, $0x2;
	[sflag:s14] =	ssyncadd.s32 $0xFFFFC000  }
0x4e: {  	[tilespmem:s16], [sflag:$0x1] =	stream.indirect.gather [hbm4b:s4+s17], $0x80, s22, s17, $0xb8;
	[tilespmem:$0x1D000] =	vst v63  }
0x4f: {  	_ =	swait.ge [sflag:s18], $0x4000  }
0x50: {  	[sflag:s18] =	ssyncset.done $0x0  }
0x51: {  	s22 =	sadd.s32 $0x2800, s22;
	[sflag:s18] =	ssyncadd.s32 $0xFFFFC000  }
0x52: {  	[spmem:s1] =	stream.indirect.scatter.add.f32 [tilespmem:s16], [sflag:$0x2], $0x80, s22, s17, $0xb8;
	[tilespmem:$0x1D000] =	vst v63  }
0x53: {  	_ =	swait.ge [sflag:s14], $0x4000  }
0x54: {  	s21 =	sadd.s32 $0x1, s21;
	[sflag:s14] =	ssyncset.done $0x0  }
0x55: {  	p0 =	sne.s32 s21, s13;
	[sflag:s14] =	ssyncadd.s32 $0xFFFFC000  }
.Ltmp2:
0x56: {  	[bflag:$0x0] =	sbarrier.arrive $0xFFFF;
	(pc) =	sbr.rel @p0 .LBB2_1-.Ltmp2, $4  }
0x57: {  	[hbm:s12], [sflag:s19] =	dma.local [spmem:s20], $0x2800  }
0x58: {  	_ =	swait.ge [sflag:s14], $0x2800  }
0x59: {  	[sflag:s14] =	ssyncset.done $0x0  }
0x5a: {  	[sflag:s14] =	ssyncadd.s32 $0xFFFFD800  }
0x5b: {  	_ =	sfence.sel $0x180000  }
0x5c: {  	[bflag:$0x0] =	sbarrier.arrive $0xFFFF  }
0x5d: {  	p0 =	sne.s32 s2, $0x0;
	_ =	strace $0x9000004D  }
0x5e: {  	s0 =	sadd.s32 @!p0 $0x100000, s0;
	[bflag:$0x2] =	sbarrier.arrive $0xFFFF  }
0x5f: {  	[sflag:s0] =	ssyncadd.tile.s32 @!p0 $0x1;
	_ =	shalt  }
.Lfunc_end2:
_tile_overlayer_lowered:
.L_overlay_start_2:
0x60: {  	(tag) =	ssettag $0x2  }
0x61: {  	s0 =	rddreg [dreg:$0x0];
	s2 =	stileid.u32  }
0x62: {  	s1 =	rddreg [dreg:$0x1];
	p0 =	sne.s32 s2, $0x0  }
0x63: {  	s3 =	rddreg [dreg:$0x2];
	[bflag:$0x3] =	sbarrier.arrive $0xFFFF;
	s2 =	simm.s32 @!p0 $0x1C02  }
0x64: {  	[timem:s3], [sflag:s2] =	dma.local @!p0 [hbm:s0], s1  }
0x65: {  	s0 =	simm.s32 @!p0 $0x2  }
0x66: {  	_ =	swait.ge @!p0 [sflag:s0], s1  }
0x67: {  	s1 =	ssub.s32 @!p0 $0x0, s1;
	[sflag:s0] =	ssyncset.done @!p0 $0x0  }
0x68: {  	[sflag:s0] =	ssyncadd.s32 @!p0 s1  }
0x69: {  	[bflag:$0x3] =	sbarrier.arrive $0xFFFF  }
0x6a: {  	_ =	shalt  }

// kernel: kernel.8.cloned.1.call-start
scs
__scs_entry_jumppad:
0x0: {  	(pc) =	sbr.rel $0x88, $3  }
0x1: {  	(tag) =	ssettag $0x0;
	lr =	simm.s32 $0x1  }
0x2: {  	[smem:$0x3F96] =	sst lr;
	_ =	strace $0xD0000000  }
0x3: {  	_ = 	snop  }
0x4: {  	_ = 	snop  }
0x5: {  	_ = 	snop  }
0x6: {  	_ = 	snop  }
0x7: {  	_ = 	snop  }
__scs_overlays_trampoline_lowered:
0x8: {  	[smem:$0x3FA5] =	sst s0  }
0x9: {  	[smem:$0x3FA6] =	sst s1  }
0xa: {  	[smem:$0x3FA7] =	sst s2  }
0xb: {  	[smem:$0x3FA8] =	sst s3  }
0xc: {  	[smem:$0x3FA9] =	sst s4  }
0xd: {  	[smem:$0x3FAA] =	sst s5  }
0xe: {  	[smem:$0x3FAB] =	sst s6  }
0xf: {  	[smem:$0x3FAC] =	sst s7  }
0x10: {  	[smem:$0x3FAD] =	sst s8  }
0x11: {  	[smem:$0x3FAE] =	sst s9;
	s0 =	simm.s32 @!p0 $0x0  }
0x12: {  	s1 =	sld [smem:$0x3F94];
	s0 =	simm.s32 @p0 $0x1  }
0x13: {  	[smem:$0x3FAF] =	sst s0;
	s0 =	simm.s32 @!p1 $0x0  }
0x14: {  	s2 =	sld [smem:$0x3F93];
	s0 =	simm.s32 @p1 $0x1  }
0x15: {  	[smem:$0x3FB0] =	sst s0;
	s0 =	simm.s32 @!p2 $0x0  }
0x16: {  	s3 =	sld [smem:$0x3FDB];
	s0 =	simm.s32 @p2 $0x1  }
0x17: {  	s4 =	simm.s32 $0x1BF5;
	[smem:$0x3FB2] =	sst s0  }
0x18: {  	s0 =	sld [smem:$0x3F95];
	_ =	swait.ge [sflag:s4], $0x0  }
0x19: {  	s7 =	sld [smem:$0x3F96]  }
0x1a: {  	s8 =	sadd.s32 $0xFFFFE003, lr  }
0x1b: {  	s9 =	sadd.s32 $0xFFFFFEF7, lr;
	s5 =	simm.s32 $0xFFFFFFFF;
	p2 =	slt.u32 s8, $0xFFFFF086  }
0x1c: {  	p1 =	slt.u32 s9, $0xF7A;
	s5 =	simm.s32 @!p2 $0x0  }
0x1d: {  	s5 =	simm.s32 @p1 $0x1;
	p0 =	seq.s32 s7, s2  }
0x1e: {  	s7 =	smul.u32 @!p0 $0xF7A, s2;
	p2 =	seq.s32 @!p0 s5, $0x0  }
0x1f: {  	s9 =	smul.u32 $0xF7A, s1;
	s8 =	simm.s32 @!p0 $0x1BF5;
	p2 =	por !p2, p0  }
0x20: {  	[sflag:s8] =	ssyncset.s32 @!p0 $0xFFFFF086;
	s6 =	sadd.s32 @!p0 s3, s7;
	s7 =	simm.s32 @!p0 $0x108  }
0x21: {  	s3 =	sadd.s32 s3, s9;
	s6 =	sadd.s32 @!p0 $0x88, s6;
	s7 =	simm.s32 @p2 $0x1082  }
0x22: {  	[simem:s7], [sflag:s8] =	dma.local @!p0 [hbm:s6], $0xF7A  }
0x23: {  	s9 =	sor.u32 $0xD0000000, s2;
	s6 =	simm.s32 $0x108;
	_ =	swait.ge @!p0 [sflag:s8], $0x0  }
0x24: {  	s3 =	sadd.s32 $0x88, s3;
	s6 =	simm.s32 @!p1 $0x1082;
	[sflag:s4] =	ssyncset.s32 $0xFFFFF086  }
0x25: {  	[simem:s6], [sflag:s4] =	dma.local [hbm:s3], $0xF7A  }
0x26: {  	[smem:$0x3F96] =	sst s1;
	(tag) =	ssettag s2;
	_ =	strace s9  }
0x27: {  	s1 =	sld [smem:$0x3FA6]  }
0x28: {  	s2 =	sld [smem:$0x3FA7]  }
0x29: {  	s4 =	sld [smem:$0x3FA9]  }
0x2a: {  	p0 =	seq.s32 s5, $0x0;
	s5 =	sld [smem:$0x3FAA]  }
0x2b: {  	s6 =	sld [smem:$0x3FAB]  }
0x2c: {  	s7 =	sld [smem:$0x3FAC]  }
0x2d: {  	s3 =	simm.s32 $0x108;
	s8 =	sld [smem:$0x3FAD]  }
0x2e: {  	s3 =	simm.s32 @!p0 $0x1082;
	s9 =	sld [smem:$0x3FAE]  }
0x2f: {  	lr =	sadd.s32 s0, s3;
	s0 =	sld [smem:$0x3FA5]  }
0x30: {  	s3 =	sld [smem:$0x3FA8]  }
0x31: {  	[smem:$0x3FB1] =	sst s10  }
0x32: {  	s10 =	sld [smem:$0x3FAF];
	_ =	sdelay $0x3  }
0x33: {  	p0 =	seq.s32 s10, $0x1;
	s10 =	sld [smem:$0x3FB1];
	_ =	sdelay $0x3  }
0x34: {  	[smem:$0x3FB1] =	sst s10  }
0x35: {  	s10 =	sld [smem:$0x3FB0];
	_ =	sdelay $0x3  }
0x36: {  	p1 =	seq.s32 s10, $0x1;
	s10 =	sld [smem:$0x3FB1];
	_ =	sdelay $0x3  }
0x37: {  	[smem:$0x3FB1] =	sst s10  }
0x38: {  	s10 =	sld [smem:$0x3FB2]  }
0x39: {  	_ = 	snop;
	(pc) =	sbr.ind lr, $3  }
0x3a: {  	_ = 	snop  }
0x3b: {  	_ = 	snop  }
0x3c: {  	p2 =	seq.s32 s10, $0x1;
	s10 =	sld [smem:$0x3FB1]  }
0x3d: {  	_ =	shalt  }
0x3e: {  	_ =	shalt  }
0x3f: {  	_ =	shalt  }
0x40: {  	_ =	shalt  }
0x41: {  	_ =	shalt  }
0x42: {  	_ =	shalt  }
0x43: {  	_ =	shalt  }
0x44: {  	_ =	shalt  }
0x45: {  	_ =	shalt  }
0x46: {  	_ =	shalt  }
0x47: {  	_ =	shalt  }
0x48: {  	_ =	shalt  }
0x49: {  	_ =	shalt  }
0x4a: {  	_ =	shalt  }
0x4b: {  	_ =	shalt  }
0x4c: {  	_ =	shalt  }
0x4d: {  	_ =	shalt  }
0x4e: {  	_ =	shalt  }
0x4f: {  	_ =	shalt  }
0x50: {  	_ =	shalt  }
0x51: {  	_ =	shalt  }
0x52: {  	_ =	shalt  }
0x53: {  	_ =	shalt  }
0x54: {  	_ =	shalt  }
0x55: {  	_ =	shalt  }
0x56: {  	_ =	shalt  }
0x57: {  	_ =	shalt  }
0x58: {  	_ =	shalt  }
0x59: {  	_ =	shalt  }
0x5a: {  	_ =	shalt  }
0x5b: {  	_ =	shalt  }
0x5c: {  	_ =	shalt  }
0x5d: {  	_ =	shalt  }
0x5e: {  	_ =	shalt  }
0x5f: {  	_ =	shalt  }
0x60: {  	_ =	shalt  }
0x61: {  	_ =	shalt  }
0x62: {  	_ =	shalt  }
0x63: {  	_ =	shalt  }
0x64: {  	_ =	shalt  }
0x65: {  	_ =	shalt  }
0x66: {  	_ =	shalt  }
0x67: {  	_ =	shalt  }
0x68: {  	_ =	shalt  }
0x69: {  	_ =	shalt  }
0x6a: {  	_ =	shalt  }
0x6b: {  	_ =	shalt  }
0x6c: {  	_ =	shalt  }
0x6d: {  	_ =	shalt  }
0x6e: {  	_ =	shalt  }
0x6f: {  	_ =	shalt  }
0x70: {  	_ =	shalt  }
0x71: {  	_ =	shalt  }
0x72: {  	_ =	shalt  }
0x73: {  	_ =	shalt  }
0x74: {  	_ =	shalt  }
0x75: {  	_ =	shalt  }
0x76: {  	_ =	shalt  }
0x77: {  	_ =	shalt  }
0x78: {  	_ =	shalt  }
0x79: {  	_ =	shalt  }
0x7a: {  	_ =	shalt  }
0x7b: {  	_ =	shalt  }
0x7c: {  	_ =	shalt  }
0x7d: {  	_ =	shalt  }
0x7e: {  	_ =	shalt  }
0x7f: {  	_ =	shalt  }
0x80: {  	_ =	shalt  }
0x81: {  	_ =	shalt  }
0x82: {  	_ =	shalt  }
0x83: {  	_ =	shalt  }
0x84: {  	_ =	shalt  }
0x85: {  	_ =	shalt  }
0x86: {  	_ =	shalt  }
0x87: {  	_ =	shalt  }
.Lfunc_end0:
.L_simem_size_0:
called_computation_lowered:
.L_overlay_start_0:
0x88: {  	s2 =	sld [smem:$0x3FD9]  }
0x89: {  	s3 =	sld [smem:$0x3FFE];
	_ =	sdelay $0x1  }
0x8a: {  	s1 =	srdreg.scid  }
0x8b: {  	s0 =	sand.u32 $0x1, s1  }
0x8c: {  	s16 =	sshll.u32 s0, $0xA;
	s2 =	sadd.s32 s3, s2  }
0x8d: {  	s2 =	sadd.s32 s2, s16  }
0x8e: {  	[smem:$0x3FBD] =	sst s2  }
0x8f: {  	_ = 	snop  }
0x90: {  	(tm) =	ssettm $0x1  }
0x91: {  	s17 =	sld [smem:$0x3FFB];
	_ =	sdelay $0x3  }
0x92: {  	_ =	strace s17  }
0x93: {  	s2 =	sld [smem:$0x3FFC];
	_ =	sdelay $0x3  }
0x94: {  	_ =	strace s2  }
0x95: {  	s2 =	sld [smem:$0x3FFD];
	_ =	sdelay $0x3  }
0x96: {  	_ =	strace s2  }
0x97: {  	_ =	strace $0x8FFFFFFF  }
0x98: {  	s18 =	sld [smem:$0x3FDB];
	_ =	sdelay $0x1  }
0x99: {  	s19 =	simm.s32 $_scs_section_size  }
0x9a: {  	s4 =	simm.s32 $_size__tile_overlayer_lowered;
	s5 =	simm.s32 $_tile_overlayer_lowered  }
0x9b: {  	s22 =	simm.s32 $0x1BFF;
	s21 =	sshll.u32 s5, $0x1;
	s2 =	sadd.s32 s19, s18  }
0x9c: {  	s6 =	simm.s32 $0x0;
	s20 =	sshll.u32 s4, $0x1;
	s4 =	sadd.s32 s21, s2  }
0x9d: {  	[timem:s6], [sflag:s22] =	dma.local [hbm:s4], s20  }
0x9e: {  	_ =	swait.ge [sflag:s22], s20  }
0x9f: {  	s3 =	ssub.s32 $0x0, s20;
	[sflag:s22] =	ssyncset.done $0x0  }
0xa0: {  	[sflag:s22] =	ssyncadd.s32 s3;
	_ =	sdelay $0x1  }
0xa1: {  	s23 =	simm.s32 $0x1B8B  }
0xa2: {  	_ =	swait.ge [sflag:s23], $0x1  }
0xa3: {  	[sflag:s23] =	ssyncset.done $0x0  }
0xa4: {  	s25 =	simm.s32 $0x1B8E;
	s24 =	sld [smem:$0x3FFE];
	[sflag:s23] =	ssyncadd.s32 $0xFFFFFFFF  }
0xa5: {  	s26 =	simm.s32 $execute0_lowered;
	[smem:$0x3FD2] =	sst s25  }
0xa6: {  	s4 =	sshll.u32 s26, $0x1;
	_ =	strace $0x80000046;
	[dreg:$0x1] =	wrdreg $0xFFFFFFFF  }
0xa7: {  	s28 =	simm.s32 $_size_execute0_lowered;
	s2 =	sadd.s32 s2, s4;
	[dreg:$0x0] =	wrdreg $0x0  }
0xa8: {  	s4 =	sshll.u32 s28, $0x1;
	[dreg:$0x2] =	wrdreg s2  }
0xa9: {  	[dreg:$0x3] =	wrdreg s4  }
0xaa: {  	[dreg:$0x4] =	wrdreg $0xC0  }
0xab: {  	_ =	task [dreg:s6], $0x5FFFF  }
0xac: {  	[dreg:$0x1] =	wrdreg $0xFFFFFFFF  }
0xad: {  	[dreg:$0x0] =	wrdreg $0x60  }
0xae: {  	[dreg:$0x2] =	wrdreg s24  }
0xaf: {  	[dreg:$0x3] =	wrdreg $0xA8000  }
0xb0: {  	[dreg:$0x4] =	wrdreg $0x9  }
0xb1: {  	_ =	task.clear_ibuf [dreg:s6], $0x5FFFF;
	_ =	strace $0x90000046  }
0xb2: {  	s29 =	simm.s32 $0x9;
	_ =	strace $0x80000048  }
0xb3: {  	_ =	swait.ge [sflag:s29], $0x1  }
0xb4: {  	[sflag:s29] =	ssyncadd.s32 $0xFFFFFFFF  }
0xb5: {  	_ =	strace $0x90000048  }
0xb6: {  	_ =	sfence  }
0xb7: {  	s30 =	sld [smem:$0x0];
	_ =	sdelay $0x2  }
0xb8: {  	s31 =	sshll.u32 s1, $0xD;
	s1 =	sshrl.u32 s1, $0x2  }
0xb9: {  	s3 =	sand.u32 $0x4000, s31;
	s1 =	sadd.s32 s1, s30  }
0xba: {  	s0 =	sor.u32 s3, s0;
	s1 =	sshll.u32 s1, $0x11  }
0xbb: {  	s0 =	sor.u32 s1, s0  }
0xbc: {  	s0 =	sadd.s32 $0x8F2B, s0  }
0xbd: {  	[sflag:s0] =	ssyncadd.remote.s32 $0x1  }
0xbe: {  	_ =	sfence.sel $0xFFFF  }
0xbf: {  	[dreg:$0x0] =	wrdreg $0xFFFFFFFF;
	(pc) =	sbr.abs _section_cstart, $3  }
0xc0: {  	[dreg:$0x1] =	wrdreg $0xFFFFFFFF  }
0xc1: {  	_ =	task.clear_ibuf [dreg:s6], $0x2FFFF;
	_ =	strace $0x9FFFFFFF  }
0xc2: {  	(tm) =	ssettm $0x7FFFFFFF  }
0xc3: {  	_ =	shalt  }
tec
execute0_lowered:
.L_overlay_start_1:
0x0: {  	(tag) =	ssettag $0x1  }
0x1: {  	s5 =	rddreg [dreg:$0x0]  }
0x2: {  	s0 =	srdreg.scid;
	s2 =	rddreg [dreg:$0x1]  }
0x3: {  	s3 =	simm.s32 $0x0;
	s12 =	simm.s32 $0x1;
	s13 =	simm.s32 $0x6800  }
0x4: {  	s14 =	simm.s32 $0x80;
	s15 =	simm.s32 $0x2800;
	s4 =	sand.u32 $0x1, s0  }
0x5: {  	s18 =	simm.s32 $0x0;
	s0 =	stileid.u32;
	s7 =	smul.u32 $0x140000, s4  }
0x6: {  	[smem:$0x7FF] =	sst s3;
	s1 =	sshll.u32 s4, $0x4;
	s8 =	smul.u32 $0x14000, s0  }
0x7: {  	s9 =	smul.u32 $0x50000, s0;
	s4 =	ssub.s32 $0x2, s4;
	s16 =	sshll.u32 s0, $0x6  }
0x8: {  	s1 =	sor.u32 s0, s1;
	s31 =	sshrl.u32 s4, $0x1;
	s16 =	sor.u32 $0x1C01, s16  }
0x9: {  	s6 =	smul.u32 $0x500, s1;
	s1 =	rddreg [dreg:$0x2];
	_ =	strace $0x80000047  }
0xa: {  	s7 =	sadd.s32 s8, s7;
	s9 =	sshrl.u32 s9, $0x2;
	s11 =	ssub.s32 s4, s31  }
0xb: {  	s7 =	sshrl.u32 s7, $0x3;
	s4 =	sadd.s32 s9, s2;
	s11 =	smax.u32 s11, $0x1  }
0xc: {  	s6 =	sadd.s32 s6, s5;
	s10 =	sadd.s32 s7, s5;
	s7 =	sadd.s32 $0x8000, s4  }
0xd: {  	s8 =	sadd.s32 $0xC000, s4;
	s9 =	sadd.s32 $0x10000, s4;
	s17 =	sshrl.u32 s4, $0x3  }
0xe: {  	v0 =	vimm.f32 $1.000000000e+00;
	v1 =	vimm.f32 $0.0e+00;
	s5 =	sadd.s32 $0x3A00, s6;
	s6 =	sadd.s32 $0x4000, s4;
	s10 =	sadd.s32 $0xDA00, s10  }
.LBB2_1:
0xf: {  	[tilespmem:s3], [sflag:$0x1] =	stream.linear.gather [hbm4b:s5+s3], $0x2800, $0x38;
	[tilespmem:$0xD000] =	vst v63  }
0x10: {  	_ =	swait.ge [sflag:s12], $0x2800  }
0x11: {  	[sflag:s12] =	ssyncset.done $0x0  }
0x12: {  	s19 =	simm.s32 $0x200;
	s20 =	simm.s32 $0x0;
	[sflag:s12] =	ssyncadd.s32 $0xFFFFD800  }
.LBB2_2:
0x13: {  	p0 =	sne.s32 s19, $0xFE00;
	[tilespmem:s20+$0x2800] =	vst v0;
	s21 =	smov.u32 s19;
	s19 =	sadd.s32 $0x200, s19  }
.Ltmp0:
0x14: {  	[tilespmem:s20+$0x6800] =	vst v1;
	(pc) =	sbr.rel @p0 .LBB2_2-.Ltmp0, $2  }
0x15: {  	_ =	sdelay $0x2  }
0x16: {  	s20 =	sshra.s32 s21, $0x2  }
0x17: {  	[tilespmem:s20+$0x2800] =	vst v0  }
0x18: {  	[tilespmem:s20+$0x6800] =	vst v1  }
0x19: {  	[spmem:s4] =	stream.linear.scatter [tilespmem:s13], [sflag:$0x1], $0x4000, $0x38;
	[tilespmem:$0xD000] =	vst v63  }
0x1a: {  	_ =	swait.ge [sflag:s12], $0x4000  }
0x1b: {  	[sflag:s12] =	ssyncset.done $0x0  }
0x1c: {  	[sflag:s12] =	ssyncadd.s32 $0xFFFFC000  }
0x1d: {  	[spmem:s6] =	stream.linear.scatter [tilespmem:s13], [sflag:$0x1], $0x4000, $0x38;
	[tilespmem:$0xD000] =	vst v63  }
0x1e: {  	_ =	swait.ge [sflag:s12], $0x4000  }
0x1f: {  	[sflag:s12] =	ssyncset.done $0x0  }
0x20: {  	[sflag:s12] =	ssyncadd.s32 $0xFFFFC000  }
0x21: {  	[spmem:s7] =	stream.linear.scatter [tilespmem:s13], [sflag:$0x1], $0x4000, $0x38;
	[tilespmem:$0xD000] =	vst v63  }
0x22: {  	_ =	swait.ge [sflag:s12], $0x4000  }
0x23: {  	[sflag:s12] =	ssyncset.done $0x0  }
0x24: {  	[sflag:s12] =	ssyncadd.s32 $0xFFFFC000  }
0x25: {  	[spmem:s8] =	stream.linear.scatter [tilespmem:s13], [sflag:$0x1], $0x4000, $0x38;
	[tilespmem:$0xD000] =	vst v63  }
0x26: {  	_ =	swait.ge [sflag:s12], $0x4000  }
0x27: {  	[sflag:s12] =	ssyncset.done $0x0  }
0x28: {  	[sflag:s12] =	ssyncadd.s32 $0xFFFFC000  }
0x29: {  	[spmem:s9] =	stream.linear.scatter [tilespmem:s13], [sflag:$0x1], $0x4000, $0x38;
	[tilespmem:$0xD000] =	vst v63  }
0x2a: {  	_ =	swait.ge [sflag:s12], $0x4000  }
0x2b: {  	[sflag:s12] =	ssyncset.done $0x0  }
0x2c: {  	[sflag:s12] =	ssyncadd.s32 $0xFFFFC000  }
0x2d: {  	s19 =	simm.s32 $0x0;
	[bflag:$0x0] =	sbarrier.arrive $0xFFFF  }
0x2e: {  	[spmem:s2] =	stream.indirect.scatter.add.f32 [tilespmem:s15], [sflag:$0x1], $0x10, s19, s14, $0xb8;
	[tilespmem:$0xD000] =	vst v63  }
0x2f: {  	_ =	swait.ge [sflag:s12], $0x800  }
0x30: {  	s19 =	simm.s32 $0x200;
	[sflag:s12] =	ssyncset.done $0x0  }
.LBB2_4:
0x31: {  	s20 =	sshra.s32 s19, $0x2;
	[sflag:s12] =	ssyncadd.s32 $0xFFFFF800;
	p0 =	sne.s32 s19, $0x9E00  }
0x32: {  	[spmem:s2] =	stream.indirect.scatter.add.f32 [tilespmem:s15], [sflag:$0x1], $0x10, s20, s14, $0xb8;
	[tilespmem:$0xD000] =	vst v63  }
.Ltmp1:
0x33: {  	_ = 	snop;
	(pc) =	sbr.rel @p0 .LBB2_4-.Ltmp1, $4  }
0x34: {  	_ = 	snop  }
0x35: {  	s19 =	sadd.s32 $0x200, s19  }
0x36: {  	_ =	swait.ge [sflag:s12], $0x800  }
0x37: {  	[sflag:s12] =	ssyncset.done $0x0  }
0x38: {  	s18 =	sadd.s32 $0x1, s18  }
0x39: {  	[sflag:s12] =	ssyncadd.s32 $0xFFFFF800;
	p0 =	sne.s32 s18, s11  }
.Ltmp2:
0x3a: {  	[bflag:$0x0] =	sbarrier.arrive $0xFFFF;
	(pc) =	sbr.rel @p0 .LBB2_1-.Ltmp2, $4  }
0x3b: {  	[hbm:s10], [sflag:s16] =	dma.local [spmem:s17], $0x2800  }
0x3c: {  	_ =	swait.ge [sflag:s12], $0x2800  }
0x3d: {  	[sflag:s12] =	ssyncset.done $0x0  }
0x3e: {  	[sflag:s12] =	ssyncadd.s32 $0xFFFFD800  }
0x3f: {  	_ =	sfence.sel $0x180000  }
0x40: {  	[bflag:$0x0] =	sbarrier.arrive $0xFFFF  }
0x41: {  	p0 =	sne.s32 s0, $0x0;
	_ =	strace $0x90000047  }
0x42: {  	s0 =	sadd.s32 @!p0 $0x100000, s1;
	[bflag:$0x2] =	sbarrier.arrive $0xFFFF  }
0x43: {  	[sflag:s0] =	ssyncadd.tile.s32 @!p0 $0x1;
	_ =	shalt  }
.Lfunc_end2:
_tile_overlayer_lowered:
.L_overlay_start_2:
0x44: {  	(tag) =	ssettag $0x2  }
0x45: {  	s0 =	rddreg [dreg:$0x0];
	s2 =	stileid.u32  }
0x46: {  	s1 =	rddreg [dreg:$0x1];
	p0 =	sne.s32 s2, $0x0  }
0x47: {  	s3 =	rddreg [dreg:$0x2];
	[bflag:$0x3] =	sbarrier.arrive $0xFFFF;
	s2 =	simm.s32 @!p0 $0x1C01  }
0x48: {  	[timem:s3], [sflag:s2] =	dma.local @!p0 [hbm:s0], s1  }
0x49: {  	s0 =	simm.s32 @!p0 $0x1  }
0x4a: {  	_ =	swait.ge @!p0 [sflag:s0], s1  }
0x4b: {  	s1 =	ssub.s32 @!p0 $0x0, s1;
	[sflag:s0] =	ssyncset.done @!p0 $0x0  }
0x4c: {  	[sflag:s0] =	ssyncadd.s32 @!p0 s1  }
0x4d: {  	[bflag:$0x3] =	sbarrier.arrive $0xFFFF  }
0x4e: {  	_ =	shalt  }

</sc_bundles>
